<compile_context>
chip_gen: v7x
topology: tpu7x:2x2x1
jax: 0.10.2.dev20260603
libtpu: 0.0.44.dev20260713+nightly
codegen_flags: <defaults>
</compile_context>

<pallas_src>
import functools

import jax
import jax.numpy as jnp
from jax import lax
from jax.experimental import pallas as pl
from jax.experimental.pallas import tpu as pltpu
from jax.experimental.pallas import tpu_sc as plsc

N_NODES = 8192
D = 256
NS1, NS2, NU1, NU2 = 512, 1024, 2048, 4096
NSEEN = NS1 + NS2
SEEN_BASE = 8
U1_BASE = SEEN_BASE + NSEEN
AVG_ROW = U1_BASE + NU1
V2_ZERO_BASE = 3600
V2_ROWS = V2_ZERO_BASE + 1024
NC, NSUB = 2, 16
NW = NC * NSUB

_R_PER_W = NU1 // NW
_S_PER_W = NSEEN // NW
_N_PER_W = N_NODES // NW
_CHUNK = 128


def _sc_mesh():
    return plsc.VectorSubcoreMesh(
        core_axis_name="c", subcore_axis_name="s",
        num_cores=NC, num_subcores=NSUB)


@functools.lru_cache(maxsize=None)
def _make_sc_gather():
    @functools.partial(
        pl.kernel,
        out_type=(
            jax.ShapeDtypeStruct((NU1, D), jnp.float32),
            jax.ShapeDtypeStruct((NSEEN, D), jnp.float32),
        ),
        mesh=_sc_mesh(),
        scratch_types=[
            pltpu.VMEM((_R_PER_W,), jnp.int32),
            pltpu.VMEM((_R_PER_W, D), jnp.float32),
            pltpu.VMEM((_S_PER_W,), jnp.int32),
            pltpu.VMEM((_S_PER_W, D), jnp.float32),
            pltpu.SemaphoreType.DMA,
            pltpu.SemaphoreType.DMA,
        ],
    )
    def _sc_gather(rel_t, u1rel, ent_t, seen_old, rel1_out, seen_out,
                   idx1_v, rows1_v, idx2_v, rows2_v, sem1, sem2):
        wid = lax.axis_index("s") * NC + lax.axis_index("c")
        b1 = wid * _R_PER_W
        b2 = wid * _S_PER_W
        pltpu.sync_copy(u1rel.at[pl.ds(b1, _R_PER_W)], idx1_v)
        cp1 = pltpu.async_copy(rel_t.at[idx1_v], rows1_v, sem1)
        pltpu.sync_copy(seen_old.at[pl.ds(b2, _S_PER_W)], idx2_v)
        cp2 = pltpu.async_copy(ent_t.at[idx2_v], rows2_v, sem2)
        cp1.wait()
        pltpu.sync_copy(rows1_v, rel1_out.at[pl.ds(b1, _R_PER_W)])
        cp2.wait()
        pltpu.sync_copy(rows2_v, seen_out.at[pl.ds(b2, _S_PER_W)])

    return _sc_gather


@functools.lru_cache(maxsize=None)
def _make_sc_assemble():
    @functools.partial(
        pl.kernel,
        out_type=jax.ShapeDtypeStruct((N_NODES, D), jnp.float32),
        mesh=_sc_mesh(),
        scratch_types=[
            pltpu.VMEM((_CHUNK,), jnp.int32),
            pltpu.VMEM((_CHUNK, D), jnp.float32),
            pltpu.VMEM((_CHUNK,), jnp.int32),
            pltpu.VMEM((_CHUNK, D), jnp.float32),
            pltpu.SemaphoreType.DMA,
            pltpu.SemaphoreType.DMA,
        ],
    )
    def _sc_assemble(v2, win2, out, idx_a, rows_a, idx_b, rows_b, sem_a, sem_b):
        wid = lax.axis_index("s") * NC + lax.axis_index("c")
        base = wid * _N_PER_W
        pltpu.sync_copy(win2.at[pl.ds(base, _CHUNK)], idx_a)
        cp_a = pltpu.async_copy(v2.at[idx_a], rows_a, sem_a)
        pltpu.sync_copy(win2.at[pl.ds(base + _CHUNK, _CHUNK)], idx_b)
        cp_b = pltpu.async_copy(v2.at[idx_b], rows_b, sem_b)
        cp_a.wait()
        pltpu.sync_copy(rows_a, out.at[pl.ds(base, _CHUNK)])
        cp_b.wait()
        pltpu.sync_copy(rows_b, out.at[pl.ds(base + _CHUNK, _CHUNK)])

    return _sc_assemble


def _dotT(a, b):
    return lax.dot_general(a, b, (((1,), (1,)), ((), ())),
                           preferred_element_type=jnp.float32)


def _dot(a, b):
    return lax.dot_general(a, b, (((1,), (0,)), ((), ())),
                           preferred_element_type=jnp.float32)


def _dotT_exact(a, b):
    return lax.dot_general(a, b, (((1,), (1,)), ((), ())),
                           precision=lax.Precision.HIGHEST,
                           preferred_element_type=jnp.float32)


def _gru_parts(gi, gh, h):
    i_r, i_z, i_n = gi[:, 0:D], gi[:, D:2 * D], gi[:, 2 * D:3 * D]
    h_r, h_z, h_n = gh[:, 0:D], gh[:, D:2 * D], gh[:, 2 * D:3 * D]
    r = jax.nn.sigmoid(i_r + h_r)
    z = jax.nn.sigmoid(i_z + h_z)
    n = jnp.tanh(i_n + r * h_n)
    return (1.0 - z) * n + z * h


def _oh_hiT(t_row, rows):
    hi = lax.shift_right_logical(t_row, 7)
    return (lax.broadcasted_iota(jnp.int32, (rows, 1), 0) == hi
            ).astype(jnp.float32)


def _oh_loT(t_row):
    lo = jnp.bitwise_and(t_row, 127)
    return (lax.broadcasted_iota(jnp.int32, (128, 1), 0) == lo
            ).astype(jnp.float32)


def _phase(t_col, t_row, k, base, h_laterT):
    f32 = jnp.float32
    oh_hiT = _oh_hiT(t_row, 64)
    oh_loT = _oh_loT(t_row)
    hits = jnp.sum(_dot(h_laterT, oh_hiT) * oh_loT, axis=0, keepdims=True)
    row_ids = lax.broadcasted_iota(jnp.int32, (k, 1), 0)
    col_ids = lax.broadcasted_iota(jnp.int32, (1, k), 1)
    dup_mat = jnp.where((t_col == t_row) & (row_ids > col_ids),
                        f32(1.0), f32(0.0))
    dups = jnp.sum(dup_mat, axis=0, keepdims=True)
    keep = jnp.where(hits + dups == 0.0, f32(1.0), f32(0.0))
    vrow = keep * (f32(base) + col_ids.astype(f32))
    return _dotT_exact(oh_hiT * vrow, oh_loT)


def _tc_compute(dr, sh, w_ih, w_hh, b_ih, b_hh, sub_w, sub_b, obj_w, obj_b,
                rel1, rel_t,
                s1_col, s1_row, s2_col, s2_row, u1_col, u1_row,
                h2_row, u2_row, bug_grid, bug_gridT):
    f32 = jnp.float32
    sub_emb = jnp.tanh(_dotT(sh, sub_w) + sub_b)
    gi0 = _dotT(dr, w_ih) + b_ih
    gh0 = _dotT(sub_emb, w_hh) + b_hh
    r0 = _gru_parts(gi0, gh0, sub_emb)
    gi = _dotT(r0, w_ih) + b_ih
    gh = _dotT(rel1, w_hh) + b_hh
    rj = _gru_parts(gi, gh, rel1)
    emb1 = jnp.tanh(_dotT(rj, obj_w) + obj_b)

    h2_hist = _dotT(_oh_hiT(h2_row, 16), _oh_loT(h2_row))
    head_sum = _dot(h2_hist.reshape(1, NU1), emb1)
    u2_hist = _dotT(_oh_hiT(u2_row, 8), _oh_loT(u2_row))
    rel_sum = _dot(u2_hist.reshape(1, 1024)[:, 0:1000], rel_t)
    avg = (head_sum + rel_sum) * f32(1.0 / NU2)

    bug_fT = bug_gridT.astype(f32)
    s2_loT = _oh_loT(s2_row)
    u1_loT = _oh_loT(u1_row)
    hist_s2T = _dotT(s2_loT, _oh_hiT(s2_row, 64))
    hist_u1T = _dotT(u1_loT, _oh_hiT(u1_row, 64))
    c1 = _phase(s1_col, s1_row, NS1, float(SEEN_BASE),
                hist_s2T + hist_u1T + bug_fT)
    c2 = _phase(s2_col, s2_row, NS2, float(SEEN_BASE + NS1),
                hist_u1T + bug_fT)
    c3 = _phase(u1_col, u1_row, NU1, float(U1_BASE), bug_fT)
    s1_hits0 = jnp.sum((s1_row == 0).astype(f32))
    all_hits0 = s1_hits0 + (hist_s2T + hist_u1T + bug_fT)[0, 0]
    node_ids = (lax.broadcasted_iota(jnp.int32, (64, 1), 0) * 128
                + lax.broadcasted_iota(jnp.int32, (64, 128), 1))
    node0 = (node_ids == 0).astype(f32)
    keep0 = jnp.where(all_hits0 == 0.0, f32(1.0), f32(0.0))
    bug_f = bug_grid.astype(f32)
    win_grid = c1 + c2 + c3 + keep0 * node0 + f32(AVG_ROW) * bug_f
    win_i = win_grid.astype(jnp.int32)
    win2 = jnp.where(
        win_i == 0,
        V2_ZERO_BASE + jnp.bitwise_and(node_ids, 1023),
        win_i)
    return sub_emb, emb1, avg, win2


def _tc_body(dr_ref, sh_ref, w_ih_ref, w_hh_ref, b_ih_ref, b_hh_ref,
             sub_w_ref, sub_b_ref, obj_w_ref, obj_b_ref,
             rel1_ref, seenvals_ref, rel_t_ref,
             s1_col_ref, s1_row_ref, s2_col_ref, s2_row_ref,
             u1_col_ref, u1_row_ref, h2_row_ref, u2_row_ref,
             bug_grid_ref, bug_gridT_ref,
             v2_ref, win2_ref):
    f32 = jnp.float32
    sub_emb, emb1, avg, win2 = _tc_compute(
        dr_ref[...], sh_ref[...], w_ih_ref[...], w_hh_ref[...],
        b_ih_ref[...], b_hh_ref[...], sub_w_ref[...], sub_b_ref[...],
        obj_w_ref[...], obj_b_ref[...],
        rel1_ref[...], rel_t_ref[...],
        s1_col_ref[...], s1_row_ref[...], s2_col_ref[...], s2_row_ref[...],
        u1_col_ref[...], u1_row_ref[...], h2_row_ref[...], u2_row_ref[...],
        bug_grid_ref[...], bug_gridT_ref[...])
    win2_ref[...] = win2
    v2_ref[0:1, :] = jnp.zeros((1, D), f32)
    v2_ref[1:2, :] = sub_emb
    v2_ref[2:SEEN_BASE, :] = jnp.zeros((SEEN_BASE - 2, D), f32)
    v2_ref[SEEN_BASE:U1_BASE, :] = seenvals_ref[...]
    v2_ref[U1_BASE:AVG_ROW, :] = emb1
    v2_ref[AVG_ROW:AVG_ROW + 1, :] = avg
    v2_ref[AVG_ROW + 1:, :] = jnp.zeros((V2_ROWS - AVG_ROW - 1, D), f32)


_tc_dense = pl.pallas_call(
    _tc_body,
    out_shape=(
        jax.ShapeDtypeStruct((V2_ROWS, D), jnp.float32),
        jax.ShapeDtypeStruct((64, 128), jnp.int32),
    ),
)


def kernel(dialogue_representation, sub_hidden, seen_1_old, seen_1_new,
           seen_2_old, seen_2_new, unseen_1_rel, unseen_1_new, unseen_2_rel,
           head_2_idx, bug_write_id, entity_table, relation_table,
           W_ih, W_hh, b_ih, b_hh, sub_W, sub_b, obj_W, obj_b):
    i32 = jnp.int32
    s1n = seen_1_new.astype(i32)
    s2n = seen_2_new.astype(i32)
    u1n = unseen_1_new.astype(i32)
    h2i = head_2_idx.astype(i32)
    u2r = unseen_2_rel.astype(i32)
    seen_old = jnp.concatenate(
        [seen_1_old.astype(i32), seen_2_old.astype(i32)])
    rel1, seenvals = _make_sc_gather()(
        relation_table, unseen_1_rel.astype(i32), entity_table, seen_old)
    bug = jnp.asarray(bug_write_id, i32)
    node_iota = jnp.arange(N_NODES, dtype=i32)
    bug_grid = (node_iota.reshape(64, 128) == bug).astype(i32)
    bug_gridT = (node_iota.reshape(64, 128).T == bug).astype(i32)
    v2, win_grid = _tc_dense(
        dialogue_representation, sub_hidden, W_ih, W_hh,
        b_ih.reshape(1, 3 * D), b_hh.reshape(1, 3 * D), sub_W,
        sub_b.reshape(1, D), obj_W, obj_b.reshape(1, D),
        rel1, seenvals, relation_table,
        s1n.reshape(NS1, 1), s1n.reshape(1, NS1),
        s2n.reshape(NS2, 1), s2n.reshape(1, NS2),
        u1n.reshape(NU1, 1), u1n.reshape(1, NU1),
        h2i.reshape(1, NU2), u2r.reshape(1, NU2),
        bug_grid, bug_gridT,
    )
    return _make_sc_assemble()(v2, win_grid.reshape(N_NODES))

# --- scband reference (transcript-rebuilt; emitter-appended) ---
"""Pipeline reference for scband-earl-70806830841972 (READ-ONLY COPY).

The authoritative reference and input builder live on the scoring server;
editing this copy changes nothing except your own understanding.
"""

import jax, jax.numpy as jnp
import numpy as np

N_NODES = 8192
D = 256
NUM_ENT = 100000
NUM_REL = 1000


def gru_cell(x, h, W_ih, W_hh, b_ih, b_hh):
    # Faithful torch.nn.GRUCell math
    gi = x @ W_ih.T + b_ih
    gh = h @ W_hh.T + b_hh
    i_r, i_z, i_n = jnp.split(gi, 3, axis=-1)
    h_r, h_z, h_n = jnp.split(gh, 3, axis=-1)
    r = jax.nn.sigmoid(i_r + h_r)
    z = jax.nn.sigmoid(i_z + h_z)
    n = jnp.tanh(i_n + r * h_n)
    return (1.0 - z) * n + z * h


def setup_inputs(seed: int = 0) -> dict:
    key = jax.random.key(seed)
    ks = jax.random.split(key, 20)
    s = 1.0 / np.sqrt(D)
    inp = {}
    inp['dialogue_representation'] = jax.random.normal(ks[0], (1, D), dtype=jnp.float32)
    inp['sub_hidden'] = jax.random.normal(ks[1], (1, D), dtype=jnp.float32)
    inp['seen_1_old'] = jax.random.randint(ks[2], (512,), 0, NUM_ENT)
    inp['seen_1_new'] = jax.random.randint(ks[3], (512,), 0, N_NODES)
    inp['seen_2_old'] = jax.random.randint(ks[4], (1024,), 0, NUM_ENT)
    inp['seen_2_new'] = jax.random.randint(ks[5], (1024,), 0, N_NODES)
    inp['unseen_1_rel'] = jax.random.randint(ks[6], (2048,), 0, NUM_REL)
    inp['unseen_1_new'] = jax.random.randint(ks[7], (2048,), 0, N_NODES)
    inp['unseen_2_rel'] = jax.random.randint(ks[8], (4096,), 0, NUM_REL)
    inp['head_2_idx'] = jax.random.randint(ks[9], (4096,), 0, 2048)
    inp['bug_write_id'] = 777
    inp['entity_table'] = jax.random.normal(ks[10], (NUM_ENT, D), dtype=jnp.float32)
    inp['relation_table'] = jax.random.normal(ks[11], (NUM_REL, D), dtype=jnp.float32)
    inp['W_ih'] = jax.random.uniform(ks[12], (3 * D, D), minval=-s, maxval=s, dtype=jnp.float32)
    inp['W_hh'] = jax.random.uniform(ks[13], (3 * D, D), minval=-s, maxval=s, dtype=jnp.float32)
    inp['b_ih'] = jax.random.uniform(ks[14], (3 * D,), minval=-s, maxval=s, dtype=jnp.float32)
    inp['b_hh'] = jax.random.uniform(ks[15], (3 * D,), minval=-s, maxval=s, dtype=jnp.float32)
    inp['sub_W'] = jax.random.uniform(ks[16], (D, D), minval=-s, maxval=s, dtype=jnp.float32)
    inp['sub_b'] = jnp.zeros((D,), dtype=jnp.float32)
    inp['obj_W'] = jax.random.uniform(ks[17], (D, D), minval=-s, maxval=s, dtype=jnp.float32)
    inp['obj_b'] = jnp.zeros((D,), dtype=jnp.float32)
    return inp


def reference(dialogue_representation, sub_hidden, seen_1_old, seen_1_new, seen_2_old, seen_2_new,
              unseen_1_rel, unseen_1_new, unseen_2_rel, head_2_idx, bug_write_id,
              entity_table, relation_table, W_ih, W_hh, b_ih, b_hh, sub_W, sub_b, obj_W, obj_b):
    ent = jnp.zeros((N_NODES, D), dtype=jnp.float32)
    # seed entity (sub_embedding path: sub_linear + tanh)
    sub_embedding = jnp.tanh(sub_hidden @ sub_W.T + sub_b)  # [1, D]
    ent = ent.at[0].set(sub_embedding[0])
    # r0 = GRUCell(dialogue_representation, sub_embedding)
    r0 = gru_cell(dialogue_representation, sub_embedding, W_ih, W_hh, b_ih, b_hh)  # [1, D]
    # seen 1-jump / 2-jump tails: gather from entity table, scatter-overwrite into state
    seen1 = jnp.take(entity_table, seen_1_old, axis=0)
    ent = ent.at[seen_1_new].set(seen1)
    seen2 = jnp.take(entity_table, seen_2_old, axis=0)
    ent = ent.at[seen_2_new].set(seen2)
    # unseen 1-jump tails: rj = GRUCell(r0, rel_emb); emb = tanh(obj_linear(rj))
    rel1 = jnp.take(relation_table, unseen_1_rel, axis=0)  # [U1, D]
    rj = gru_cell(jnp.broadcast_to(r0, rel1.shape), rel1, W_ih, W_hh, b_ih, b_hh)
    emb1 = jnp.tanh(rj @ obj_W.T + obj_b)  # [U1, D]
    ent = ent.at[unseen_1_new].set(emb1)
    # unseen 2-jump tails: tail = head_emb + rel_emb; original code reuses a stale
    # old_id so ALL 2-jump tails mean-pool into one node id (faithful to the bug)
    rel2 = jnp.take(relation_table, unseen_2_rel, axis=0)  # [U2, D]
    head = jnp.take(emb1, head_2_idx, axis=0)              # [U2, D]
    tails = head + rel2
    avg = jnp.mean(tails, axis=0)
    ent = ent.at[bug_write_id].set(avg)
    return ent

if __name__ == "__main__":
    import jax
    _d = setup_inputs()
    print(jax.jit(kernel)(*tuple(_d.values())))

</pallas_src>

<mosaic_0001>
#map = affine_map<(d0, d1) -> (0, 0)>
#map1 = affine_map<(d0, d1) -> (0)>
module attributes {stable_mosaic.version = 14 : i64} {
  func.func @_sc_gather(%arg0: i32, %arg1: i32, %arg2: memref<1000x256xf32, #tpu.memory_space<hbm>>, %arg3: memref<2048xi32, #tpu.memory_space<hbm>>, %arg4: memref<100000x256xf32, #tpu.memory_space<hbm>>, %arg5: memref<1536xi32, #tpu.memory_space<hbm>>, %arg6: memref<2048x256xf32, #tpu.memory_space<hbm>>, %arg7: memref<1536x256xf32, #tpu.memory_space<hbm>>, %arg8: memref<64xi32, #tpu.memory_space<vmem>>, %arg9: memref<64x256xf32, #tpu.memory_space<vmem>>, %arg10: memref<48xi32, #tpu.memory_space<vmem>>, %arg11: memref<48x256xf32, #tpu.memory_space<vmem>>, %arg12: memref<!tpu.dma_semaphore, #tpu.memory_space<semaphore_mem>>, %arg13: memref<!tpu.dma_semaphore, #tpu.memory_space<semaphore_mem>>) attributes {dimension_semantics = [#tpu.dimension_semantics<core_parallel>, #tpu.dimension_semantics<subcore_parallel>], iteration_bounds = array<i64: 2, 16>, scalar_prefetch = 0 : i64, scratch_operands = 6 : i64, tpu.core_type = #tpu.core_type<sc_vector_subcore>, window_params = [{transform_indices = #map}, {transform_indices = #map1}, {transform_indices = #map}, {transform_indices = #map1}, {transform_indices = #map}, {transform_indices = #map}]} {
    %mul3A = arith.constant 2 : i32
    %mul3A_0 = arith.muli %arg1, %mul3A : i32
    %add3A = arith.addi %mul3A_0, %arg0 : i32
    %mul3A_1 = arith.constant 64 : i32
    %mul3A_2 = arith.muli %add3A, %mul3A_1 : i32
    %mul3A_3 = arith.constant 48 : i32
    %mul3A_4 = arith.muli %add3A, %mul3A_3 : i32
    "tpu.region"() ({
      %run_scoped3A = tpu.sem_alloc : memref<!tpu.dma_semaphore, #tpu.memory_space<semaphore_mem>>
      %dma_start3A_15 = tpu.memref_slice %arg3[%mul3A_2] : memref<2048xi32, #tpu.memory_space<hbm>> -> memref<64xi32, #tpu.memory_space<hbm>>
      %dma_start3A_16 = tpu.memref_slice %arg3[%mul3A_2] : memref<2048xi32, #tpu.memory_space<hbm>> -> memref<64xi32, #tpu.memory_space<hbm>>
      tpu.enqueue_dma source(%dma_start3A_16 : memref<64xi32, #tpu.memory_space<hbm>>) target(%arg8 : memref<64xi32, #tpu.memory_space<vmem>>) target_semaphore(%run_scoped3A : memref<!tpu.dma_semaphore, #tpu.memory_space<semaphore_mem>>)
      %dma_wait3A_17 = tpu.memref_slice %arg3[%mul3A_2] : memref<2048xi32, #tpu.memory_space<hbm>> -> memref<64xi32, #tpu.memory_space<hbm>>
      %dma_wait3A_18 = tpu.memref_slice %arg3[%mul3A_2] : memref<2048xi32, #tpu.memory_space<hbm>> -> memref<64xi32, #tpu.memory_space<hbm>>
      tpu.wait_dma2 semaphore(%run_scoped3A : memref<!tpu.dma_semaphore, #tpu.memory_space<semaphore_mem>>) src(%dma_wait3A_18 : memref<64xi32, #tpu.memory_space<hbm>>) dst(%arg8 : memref<64xi32, #tpu.memory_space<vmem>>)
      tpu.yield
    }) : () -> ()
    %dma_start3A = arith.constant 0 : i32
    %dma_start3A_5 = arith.constant 0 : i32
    %dma_start3A_6 = tpu.memref_slice %arg2[%dma_start3A, %dma_start3A_5] : memref<1000x256xf32, #tpu.memory_space<hbm>> -> memref<1000x256xf32, #tpu.memory_space<hbm>>
    tpu.enqueue_indirect_dma source(%dma_start3A_6 : memref<1000x256xf32, #tpu.memory_space<hbm>>) target(%arg9 : memref<64x256xf32, #tpu.memory_space<vmem>>) offsets(%arg8 : memref<64xi32, #tpu.memory_space<vmem>>) semaphore(%arg12 : memref<!tpu.dma_semaphore, #tpu.memory_space<semaphore_mem>>)
    "tpu.region"() ({
      %run_scoped3A = tpu.sem_alloc : memref<!tpu.dma_semaphore, #tpu.memory_space<semaphore_mem>>
      %dma_start3A_15 = tpu.memref_slice %arg5[%mul3A_4] : memref<1536xi32, #tpu.memory_space<hbm>> -> memref<48xi32, #tpu.memory_space<hbm>>
      %dma_start3A_16 = tpu.memref_slice %arg5[%mul3A_4] : memref<1536xi32, #tpu.memory_space<hbm>> -> memref<48xi32, #tpu.memory_space<hbm>>
      tpu.enqueue_dma source(%dma_start3A_16 : memref<48xi32, #tpu.memory_space<hbm>>) target(%arg10 : memref<48xi32, #tpu.memory_space<vmem>>) target_semaphore(%run_scoped3A : memref<!tpu.dma_semaphore, #tpu.memory_space<semaphore_mem>>)
      %dma_wait3A_17 = tpu.memref_slice %arg5[%mul3A_4] : memref<1536xi32, #tpu.memory_space<hbm>> -> memref<48xi32, #tpu.memory_space<hbm>>
      %dma_wait3A_18 = tpu.memref_slice %arg5[%mul3A_4] : memref<1536xi32, #tpu.memory_space<hbm>> -> memref<48xi32, #tpu.memory_space<hbm>>
      tpu.wait_dma2 semaphore(%run_scoped3A : memref<!tpu.dma_semaphore, #tpu.memory_space<semaphore_mem>>) src(%dma_wait3A_18 : memref<48xi32, #tpu.memory_space<hbm>>) dst(%arg10 : memref<48xi32, #tpu.memory_space<vmem>>)
      tpu.yield
    }) : () -> ()
    %dma_start3A_7 = arith.constant 0 : i32
    %dma_start3A_8 = arith.constant 0 : i32
    %dma_start3A_9 = tpu.memref_slice %arg4[%dma_start3A_7, %dma_start3A_8] : memref<100000x256xf32, #tpu.memory_space<hbm>> -> memref<100000x256xf32, #tpu.memory_space<hbm>>
    tpu.enqueue_indirect_dma source(%dma_start3A_9 : memref<100000x256xf32, #tpu.memory_space<hbm>>) target(%arg11 : memref<48x256xf32, #tpu.memory_space<vmem>>) offsets(%arg10 : memref<48xi32, #tpu.memory_space<vmem>>) semaphore(%arg13 : memref<!tpu.dma_semaphore, #tpu.memory_space<semaphore_mem>>)
    %dma_wait3A = arith.constant 0 : i32
    %dma_wait3A_10 = arith.constant 0 : i32
    %dma_wait3A_11 = tpu.memref_slice %arg2[%dma_wait3A, %dma_wait3A_10] : memref<1000x256xf32, #tpu.memory_space<hbm>> -> memref<1000x256xf32, #tpu.memory_space<hbm>>
    tpu.wait_indirect_dma semaphore(%arg12 : memref<!tpu.dma_semaphore, #tpu.memory_space<semaphore_mem>>) src(%dma_wait3A_11 : memref<1000x256xf32, #tpu.memory_space<hbm>>) dst(%arg9 : memref<64x256xf32, #tpu.memory_space<vmem>>)
    "tpu.region"() ({
      %run_scoped3A = tpu.sem_alloc : memref<!tpu.dma_semaphore, #tpu.memory_space<semaphore_mem>>
      %dma_start3A_15 = arith.constant 0 : i32
      %dma_start3A_16 = tpu.memref_slice %arg6[%mul3A_2, %dma_start3A_15] : memref<2048x256xf32, #tpu.memory_space<hbm>> -> memref<64x256xf32, #tpu.memory_space<hbm>>
      %dma_start3A_17 = arith.constant 0 : i32
      %dma_start3A_18 = tpu.memref_slice %arg6[%mul3A_2, %dma_start3A_17] : memref<2048x256xf32, #tpu.memory_space<hbm>> -> memref<64x256xf32, #tpu.memory_space<hbm>>
      tpu.enqueue_dma source(%arg9 : memref<64x256xf32, #tpu.memory_space<vmem>>) target(%dma_start3A_18 : memref<64x256xf32, #tpu.memory_space<hbm>>) target_semaphore(%run_scoped3A : memref<!tpu.dma_semaphore, #tpu.memory_space<semaphore_mem>>)
      %dma_wait3A_19 = arith.constant 0 : i32
      %dma_wait3A_20 = tpu.memref_slice %arg6[%mul3A_2, %dma_wait3A_19] : memref<2048x256xf32, #tpu.memory_space<hbm>> -> memref<64x256xf32, #tpu.memory_space<hbm>>
      %dma_wait3A_21 = arith.constant 0 : i32
      %dma_wait3A_22 = tpu.memref_slice %arg6[%mul3A_2, %dma_wait3A_21] : memref<2048x256xf32, #tpu.memory_space<hbm>> -> memref<64x256xf32, #tpu.memory_space<hbm>>
      tpu.wait_dma2 semaphore(%run_scoped3A : memref<!tpu.dma_semaphore, #tpu.memory_space<semaphore_mem>>) src(%arg9 : memref<64x256xf32, #tpu.memory_space<vmem>>) dst(%dma_wait3A_22 : memref<64x256xf32, #tpu.memory_space<hbm>>)
      tpu.yield
    }) : () -> ()
    %dma_wait3A_12 = arith.constant 0 : i32
    %dma_wait3A_13 = arith.constant 0 : i32
    %dma_wait3A_14 = tpu.memref_slice %arg4[%dma_wait3A_12, %dma_wait3A_13] : memref<100000x256xf32, #tpu.memory_space<hbm>> -> memref<100000x256xf32, #tpu.memory_space<hbm>>
    tpu.wait_indirect_dma semaphore(%arg13 : memref<!tpu.dma_semaphore, #tpu.memory_space<semaphore_mem>>) src(%dma_wait3A_14 : memref<100000x256xf32, #tpu.memory_space<hbm>>) dst(%arg11 : memref<48x256xf32, #tpu.memory_space<vmem>>)
    "tpu.region"() ({
      %run_scoped3A = tpu.sem_alloc : memref<!tpu.dma_semaphore, #tpu.memory_space<semaphore_mem>>
      %dma_start3A_15 = arith.constant 0 : i32
      %dma_start3A_16 = tpu.memref_slice %arg7[%mul3A_4, %dma_start3A_15] : memref<1536x256xf32, #tpu.memory_space<hbm>> -> memref<48x256xf32, #tpu.memory_space<hbm>>
      %dma_start3A_17 = arith.constant 0 : i32
      %dma_start3A_18 = tpu.memref_slice %arg7[%mul3A_4, %dma_start3A_17] : memref<1536x256xf32, #tpu.memory_space<hbm>> -> memref<48x256xf32, #tpu.memory_space<hbm>>
      tpu.enqueue_dma source(%arg11 : memref<48x256xf32, #tpu.memory_space<vmem>>) target(%dma_start3A_18 : memref<48x256xf32, #tpu.memory_space<hbm>>) target_semaphore(%run_scoped3A : memref<!tpu.dma_semaphore, #tpu.memory_space<semaphore_mem>>)
      %dma_wait3A_19 = arith.constant 0 : i32
      %dma_wait3A_20 = tpu.memref_slice %arg7[%mul3A_4, %dma_wait3A_19] : memref<1536x256xf32, #tpu.memory_space<hbm>> -> memref<48x256xf32, #tpu.memory_space<hbm>>
      %dma_wait3A_21 = arith.constant 0 : i32
      %dma_wait3A_22 = tpu.memref_slice %arg7[%mul3A_4, %dma_wait3A_21] : memref<1536x256xf32, #tpu.memory_space<hbm>> -> memref<48x256xf32, #tpu.memory_space<hbm>>
      tpu.wait_dma2 semaphore(%run_scoped3A : memref<!tpu.dma_semaphore, #tpu.memory_space<semaphore_mem>>) src(%arg11 : memref<48x256xf32, #tpu.memory_space<vmem>>) dst(%dma_wait3A_22 : memref<48x256xf32, #tpu.memory_space<hbm>>)
      tpu.yield
    }) : () -> ()
    return
  }
}

#map = affine_map<(d0, d1) -> (0, 0)>
#map1 = affine_map<(d0, d1) -> (0)>
module attributes {stable_mosaic.version = 14 : i64} {
  func.func @_sc_assemble(%arg0: i32, %arg1: i32, %arg2: memref<4624x256xf32, #tpu.memory_space<hbm>>, %arg3: memref<8192xi32, #tpu.memory_space<hbm>>, %arg4: memref<8192x256xf32, #tpu.memory_space<hbm>>, %arg5: memref<128xi32, #tpu.memory_space<vmem>>, %arg6: memref<128x256xf32, #tpu.memory_space<vmem>>, %arg7: memref<128xi32, #tpu.memory_space<vmem>>, %arg8: memref<128x256xf32, #tpu.memory_space<vmem>>, %arg9: memref<!tpu.dma_semaphore, #tpu.memory_space<semaphore_mem>>, %arg10: memref<!tpu.dma_semaphore, #tpu.memory_space<semaphore_mem>>) attributes {dimension_semantics = [#tpu.dimension_semantics<core_parallel>, #tpu.dimension_semantics<subcore_parallel>], iteration_bounds = array<i64: 2, 16>, scalar_prefetch = 0 : i64, scratch_operands = 6 : i64, tpu.core_type = #tpu.core_type<sc_vector_subcore>, window_params = [{transform_indices = #map}, {transform_indices = #map1}, {transform_indices = #map}]} {
    %mul3A = arith.constant 2 : i32
    %mul3A_0 = arith.muli %arg1, %mul3A : i32
    %add3A = arith.addi %mul3A_0, %arg0 : i32
    %mul3A_1 = arith.constant 256 : i32
    %mul3A_2 = arith.muli %add3A, %mul3A_1 : i32
    "tpu.region"() ({
      %run_scoped3A = tpu.sem_alloc : memref<!tpu.dma_semaphore, #tpu.memory_space<semaphore_mem>>
      %dma_start3A_17 = tpu.memref_slice %arg3[%mul3A_2] : memref<8192xi32, #tpu.memory_space<hbm>> -> memref<128xi32, #tpu.memory_space<hbm>>
      %dma_start3A_18 = tpu.memref_slice %arg3[%mul3A_2] : memref<8192xi32, #tpu.memory_space<hbm>> -> memref<128xi32, #tpu.memory_space<hbm>>
      tpu.enqueue_dma source(%dma_start3A_18 : memref<128xi32, #tpu.memory_space<hbm>>) target(%arg5 : memref<128xi32, #tpu.memory_space<vmem>>) target_semaphore(%run_scoped3A : memref<!tpu.dma_semaphore, #tpu.memory_space<semaphore_mem>>)
      %dma_wait3A_19 = tpu.memref_slice %arg3[%mul3A_2] : memref<8192xi32, #tpu.memory_space<hbm>> -> memref<128xi32, #tpu.memory_space<hbm>>
      %dma_wait3A_20 = tpu.memref_slice %arg3[%mul3A_2] : memref<8192xi32, #tpu.memory_space<hbm>> -> memref<128xi32, #tpu.memory_space<hbm>>
      tpu.wait_dma2 semaphore(%run_scoped3A : memref<!tpu.dma_semaphore, #tpu.memory_space<semaphore_mem>>) src(%dma_wait3A_20 : memref<128xi32, #tpu.memory_space<hbm>>) dst(%arg5 : memref<128xi32, #tpu.memory_space<vmem>>)
      tpu.yield
    }) : () -> ()
    %dma_start3A = arith.constant 0 : i32
    %dma_start3A_3 = arith.constant 0 : i32
    %dma_start3A_4 = tpu.memref_slice %arg2[%dma_start3A, %dma_start3A_3] : memref<4624x256xf32, #tpu.memory_space<hbm>> -> memref<4624x256xf32, #tpu.memory_space<hbm>>
    tpu.enqueue_indirect_dma source(%dma_start3A_4 : memref<4624x256xf32, #tpu.memory_space<hbm>>) target(%arg6 : memref<128x256xf32, #tpu.memory_space<vmem>>) offsets(%arg5 : memref<128xi32, #tpu.memory_space<vmem>>) semaphore(%arg9 : memref<!tpu.dma_semaphore, #tpu.memory_space<semaphore_mem>>)
    %add3A_5 = arith.constant 128 : i32
    %add3A_6 = arith.addi %mul3A_2, %add3A_5 : i32
    "tpu.region"() ({
      %run_scoped3A = tpu.sem_alloc : memref<!tpu.dma_semaphore, #tpu.memory_space<semaphore_mem>>
      %dma_start3A_17 = tpu.memref_slice %arg3[%add3A_6] : memref<8192xi32, #tpu.memory_space<hbm>> -> memref<128xi32, #tpu.memory_space<hbm>>
      %dma_start3A_18 = tpu.memref_slice %arg3[%add3A_6] : memref<8192xi32, #tpu.memory_space<hbm>> -> memref<128xi32, #tpu.memory_space<hbm>>
      tpu.enqueue_dma source(%dma_start3A_18 : memref<128xi32, #tpu.memory_space<hbm>>) target(%arg7 : memref<128xi32, #tpu.memory_space<vmem>>) target_semaphore(%run_scoped3A : memref<!tpu.dma_semaphore, #tpu.memory_space<semaphore_mem>>)
      %dma_wait3A_19 = tpu.memref_slice %arg3[%add3A_6] : memref<8192xi32, #tpu.memory_space<hbm>> -> memref<128xi32, #tpu.memory_space<hbm>>
      %dma_wait3A_20 = tpu.memref_slice %arg3[%add3A_6] : memref<8192xi32, #tpu.memory_space<hbm>> -> memref<128xi32, #tpu.memory_space<hbm>>
      tpu.wait_dma2 semaphore(%run_scoped3A : memref<!tpu.dma_semaphore, #tpu.memory_space<semaphore_mem>>) src(%dma_wait3A_20 : memref<128xi32, #tpu.memory_space<hbm>>) dst(%arg7 : memref<128xi32, #tpu.memory_space<vmem>>)
      tpu.yield
    }) : () -> ()
    %dma_start3A_7 = arith.constant 0 : i32
    %dma_start3A_8 = arith.constant 0 : i32
    %dma_start3A_9 = tpu.memref_slice %arg2[%dma_start3A_7, %dma_start3A_8] : memref<4624x256xf32, #tpu.memory_space<hbm>> -> memref<4624x256xf32, #tpu.memory_space<hbm>>
    tpu.enqueue_indirect_dma source(%dma_start3A_9 : memref<4624x256xf32, #tpu.memory_space<hbm>>) target(%arg8 : memref<128x256xf32, #tpu.memory_space<vmem>>) offsets(%arg7 : memref<128xi32, #tpu.memory_space<vmem>>) semaphore(%arg10 : memref<!tpu.dma_semaphore, #tpu.memory_space<semaphore_mem>>)
    %dma_wait3A = arith.constant 0 : i32
    %dma_wait3A_10 = arith.constant 0 : i32
    %dma_wait3A_11 = tpu.memref_slice %arg2[%dma_wait3A, %dma_wait3A_10] : memref<4624x256xf32, #tpu.memory_space<hbm>> -> memref<4624x256xf32, #tpu.memory_space<hbm>>
    tpu.wait_indirect_dma semaphore(%arg9 : memref<!tpu.dma_semaphore, #tpu.memory_space<semaphore_mem>>) src(%dma_wait3A_11 : memref<4624x256xf32, #tpu.memory_space<hbm>>) dst(%arg6 : memref<128x256xf32, #tpu.memory_space<vmem>>)
    "tpu.region"() ({
      %run_scoped3A = tpu.sem_alloc : memref<!tpu.dma_semaphore, #tpu.memory_space<semaphore_mem>>
      %dma_start3A_17 = arith.constant 0 : i32
      %dma_start3A_18 = tpu.memref_slice %arg4[%mul3A_2, %dma_start3A_17] : memref<8192x256xf32, #tpu.memory_space<hbm>> -> memref<128x256xf32, #tpu.memory_space<hbm>>
      %dma_start3A_19 = arith.constant 0 : i32
      %dma_start3A_20 = tpu.memref_slice %arg4[%mul3A_2, %dma_start3A_19] : memref<8192x256xf32, #tpu.memory_space<hbm>> -> memref<128x256xf32, #tpu.memory_space<hbm>>
      tpu.enqueue_dma source(%arg6 : memref<128x256xf32, #tpu.memory_space<vmem>>) target(%dma_start3A_20 : memref<128x256xf32, #tpu.memory_space<hbm>>) target_semaphore(%run_scoped3A : memref<!tpu.dma_semaphore, #tpu.memory_space<semaphore_mem>>)
      %dma_wait3A_21 = arith.constant 0 : i32
      %dma_wait3A_22 = tpu.memref_slice %arg4[%mul3A_2, %dma_wait3A_21] : memref<8192x256xf32, #tpu.memory_space<hbm>> -> memref<128x256xf32, #tpu.memory_space<hbm>>
      %dma_wait3A_23 = arith.constant 0 : i32
      %dma_wait3A_24 = tpu.memref_slice %arg4[%mul3A_2, %dma_wait3A_23] : memref<8192x256xf32, #tpu.memory_space<hbm>> -> memref<128x256xf32, #tpu.memory_space<hbm>>
      tpu.wait_dma2 semaphore(%run_scoped3A : memref<!tpu.dma_semaphore, #tpu.memory_space<semaphore_mem>>) src(%arg6 : memref<128x256xf32, #tpu.memory_space<vmem>>) dst(%dma_wait3A_24 : memref<128x256xf32, #tpu.memory_space<hbm>>)
      tpu.yield
    }) : () -> ()
    %dma_wait3A_12 = arith.constant 0 : i32
    %dma_wait3A_13 = arith.constant 0 : i32
    %dma_wait3A_14 = tpu.memref_slice %arg2[%dma_wait3A_12, %dma_wait3A_13] : memref<4624x256xf32, #tpu.memory_space<hbm>> -> memref<4624x256xf32, #tpu.memory_space<hbm>>
    tpu.wait_indirect_dma semaphore(%arg10 : memref<!tpu.dma_semaphore, #tpu.memory_space<semaphore_mem>>) src(%dma_wait3A_14 : memref<4624x256xf32, #tpu.memory_space<hbm>>) dst(%arg8 : memref<128x256xf32, #tpu.memory_space<vmem>>)
    %add3A_15 = arith.constant 128 : i32
    %add3A_16 = arith.addi %mul3A_2, %add3A_15 : i32
    "tpu.region"() ({
      %run_scoped3A = tpu.sem_alloc : memref<!tpu.dma_semaphore, #tpu.memory_space<semaphore_mem>>
      %dma_start3A_17 = arith.constant 0 : i32
      %dma_start3A_18 = tpu.memref_slice %arg4[%add3A_16, %dma_start3A_17] : memref<8192x256xf32, #tpu.memory_space<hbm>> -> memref<128x256xf32, #tpu.memory_space<hbm>>
      %dma_start3A_19 = arith.constant 0 : i32
      %dma_start3A_20 = tpu.memref_slice %arg4[%add3A_16, %dma_start3A_19] : memref<8192x256xf32, #tpu.memory_space<hbm>> -> memref<128x256xf32, #tpu.memory_space<hbm>>
      tpu.enqueue_dma source(%arg8 : memref<128x256xf32, #tpu.memory_space<vmem>>) target(%dma_start3A_20 : memref<128x256xf32, #tpu.memory_space<hbm>>) target_semaphore(%run_scoped3A : memref<!tpu.dma_semaphore, #tpu.memory_space<semaphore_mem>>)
      %dma_wait3A_21 = arith.constant 0 : i32
      %dma_wait3A_22 = tpu.memref_slice %arg4[%add3A_16, %dma_wait3A_21] : memref<8192x256xf32, #tpu.memory_space<hbm>> -> memref<128x256xf32, #tpu.memory_space<hbm>>
      %dma_wait3A_23 = arith.constant 0 : i32
      %dma_wait3A_24 = tpu.memref_slice %arg4[%add3A_16, %dma_wait3A_23] : memref<8192x256xf32, #tpu.memory_space<hbm>> -> memref<128x256xf32, #tpu.memory_space<hbm>>
      tpu.wait_dma2 semaphore(%run_scoped3A : memref<!tpu.dma_semaphore, #tpu.memory_space<semaphore_mem>>) src(%arg8 : memref<128x256xf32, #tpu.memory_space<vmem>>) dst(%dma_wait3A_24 : memref<128x256xf32, #tpu.memory_space<hbm>>)
      tpu.yield
    }) : () -> ()
    return
  }
}

module attributes {stable_mosaic.version = 14 : i64} {
  func.func @_tc_body(%arg0: memref<1x256xf32, #tpu.memory_space<vmem>>, %arg1: memref<1x256xf32, #tpu.memory_space<vmem>>, %arg2: memref<768x256xf32, #tpu.memory_space<vmem>>, %arg3: memref<768x256xf32, #tpu.memory_space<vmem>>, %arg4: memref<1x768xf32, #tpu.memory_space<vmem>>, %arg5: memref<1x768xf32, #tpu.memory_space<vmem>>, %arg6: memref<256x256xf32, #tpu.memory_space<vmem>>, %arg7: memref<1x256xf32, #tpu.memory_space<vmem>>, %arg8: memref<256x256xf32, #tpu.memory_space<vmem>>, %arg9: memref<1x256xf32, #tpu.memory_space<vmem>>, %arg10: memref<2048x256xf32, #tpu.memory_space<vmem>>, %arg11: memref<1536x256xf32, #tpu.memory_space<vmem>>, %arg12: memref<1000x256xf32, #tpu.memory_space<vmem>>, %arg13: memref<512x1xi32, #tpu.memory_space<vmem>>, %arg14: memref<1x512xi32, #tpu.memory_space<vmem>>, %arg15: memref<1024x1xi32, #tpu.memory_space<vmem>>, %arg16: memref<1x1024xi32, #tpu.memory_space<vmem>>, %arg17: memref<2048x1xi32, #tpu.memory_space<vmem>>, %arg18: memref<1x2048xi32, #tpu.memory_space<vmem>>, %arg19: memref<1x4096xi32, #tpu.memory_space<vmem>>, %arg20: memref<1x4096xi32, #tpu.memory_space<vmem>>, %arg21: memref<64x128xi32, #tpu.memory_space<vmem>>, %arg22: memref<128x64xi32, #tpu.memory_space<vmem>>, %arg23: memref<4624x256xf32, #tpu.memory_space<vmem>>, %arg24: memref<64x128xi32, #tpu.memory_space<vmem>>) attributes {dimension_semantics = [], scalar_prefetch = 0 : i64, scratch_operands = 0 : i64, tpu.core_type = #tpu.core_type<tc>} {
    %get3A = arith.constant 0 : index
    %get3A_0 = arith.constant 0 : index
    %get3A_1 = vector.load %arg0[%get3A, %get3A_0] : memref<1x256xf32, #tpu.memory_space<vmem>>, vector<1x256xf32>
    %get3A_2 = arith.constant 0 : index
    %get3A_3 = arith.constant 0 : index
    %get3A_4 = vector.load %arg1[%get3A_2, %get3A_3] : memref<1x256xf32, #tpu.memory_space<vmem>>, vector<1x256xf32>
    %get3A_5 = arith.constant 0 : index
    %get3A_6 = arith.constant 0 : index
    %get3A_7 = vector.load %arg2[%get3A_5, %get3A_6] : memref<768x256xf32, #tpu.memory_space<vmem>>, vector<768x256xf32>
    %get3A_8 = arith.constant 0 : index
    %get3A_9 = arith.constant 0 : index
    %get3A_10 = vector.load %arg3[%get3A_8, %get3A_9] : memref<768x256xf32, #tpu.memory_space<vmem>>, vector<768x256xf32>
    %get3A_11 = arith.constant 0 : index
    %get3A_12 = arith.constant 0 : index
    %get3A_13 = vector.load %arg4[%get3A_11, %get3A_12] : memref<1x768xf32, #tpu.memory_space<vmem>>, vector<1x768xf32>
    %get3A_14 = arith.constant 0 : index
    %get3A_15 = arith.constant 0 : index
    %get3A_16 = vector.load %arg5[%get3A_14, %get3A_15] : memref<1x768xf32, #tpu.memory_space<vmem>>, vector<1x768xf32>
    %get3A_17 = arith.constant 0 : index
    %get3A_18 = arith.constant 0 : index
    %get3A_19 = vector.load %arg6[%get3A_17, %get3A_18] : memref<256x256xf32, #tpu.memory_space<vmem>>, vector<256x256xf32>
    %get3A_20 = arith.constant 0 : index
    %get3A_21 = arith.constant 0 : index
    %get3A_22 = vector.load %arg7[%get3A_20, %get3A_21] : memref<1x256xf32, #tpu.memory_space<vmem>>, vector<1x256xf32>
    %get3A_23 = arith.constant 0 : index
    %get3A_24 = arith.constant 0 : index
    %get3A_25 = vector.load %arg8[%get3A_23, %get3A_24] : memref<256x256xf32, #tpu.memory_space<vmem>>, vector<256x256xf32>
    %get3A_26 = arith.constant 0 : index
    %get3A_27 = arith.constant 0 : index
    %get3A_28 = vector.load %arg9[%get3A_26, %get3A_27] : memref<1x256xf32, #tpu.memory_space<vmem>>, vector<1x256xf32>
    %get3A_29 = arith.constant 0 : index
    %get3A_30 = arith.constant 0 : index
    %get3A_31 = vector.load %arg10[%get3A_29, %get3A_30] : memref<2048x256xf32, #tpu.memory_space<vmem>>, vector<2048x256xf32>
    %get3A_32 = arith.constant 0 : index
    %get3A_33 = arith.constant 0 : index
    %get3A_34 = vector.load %arg12[%get3A_32, %get3A_33] : memref<1000x256xf32, #tpu.memory_space<vmem>>, vector<1000x256xf32>
    %get3A_35 = arith.constant 0 : index
    %get3A_36 = arith.constant 0 : index
    %get3A_37 = vector.load %arg13[%get3A_35, %get3A_36] : memref<512x1xi32, #tpu.memory_space<vmem>>, vector<512x1xi32>
    %get3A_38 = arith.constant 0 : index
    %get3A_39 = arith.constant 0 : index
    %get3A_40 = vector.load %arg14[%get3A_38, %get3A_39] : memref<1x512xi32, #tpu.memory_space<vmem>>, vector<1x512xi32>
    %get3A_41 = arith.constant 0 : index
    %get3A_42 = arith.constant 0 : index
    %get3A_43 = vector.load %arg15[%get3A_41, %get3A_42] : memref<1024x1xi32, #tpu.memory_space<vmem>>, vector<1024x1xi32>
    %get3A_44 = arith.constant 0 : index
    %get3A_45 = arith.constant 0 : index
    %get3A_46 = vector.load %arg16[%get3A_44, %get3A_45] : memref<1x1024xi32, #tpu.memory_space<vmem>>, vector<1x1024xi32>
    %get3A_47 = arith.constant 0 : index
    %get3A_48 = arith.constant 0 : index
    %get3A_49 = vector.load %arg17[%get3A_47, %get3A_48] : memref<2048x1xi32, #tpu.memory_space<vmem>>, vector<2048x1xi32>
    %get3A_50 = arith.constant 0 : index
    %get3A_51 = arith.constant 0 : index
    %get3A_52 = vector.load %arg18[%get3A_50, %get3A_51] : memref<1x2048xi32, #tpu.memory_space<vmem>>, vector<1x2048xi32>
    %get3A_53 = arith.constant 0 : index
    %get3A_54 = arith.constant 0 : index
    %get3A_55 = vector.load %arg19[%get3A_53, %get3A_54] : memref<1x4096xi32, #tpu.memory_space<vmem>>, vector<1x4096xi32>
    %get3A_56 = arith.constant 0 : index
    %get3A_57 = arith.constant 0 : index
    %get3A_58 = vector.load %arg20[%get3A_56, %get3A_57] : memref<1x4096xi32, #tpu.memory_space<vmem>>, vector<1x4096xi32>
    %get3A_59 = arith.constant 0 : index
    %get3A_60 = arith.constant 0 : index
    %get3A_61 = vector.load %arg21[%get3A_59, %get3A_60] : memref<64x128xi32, #tpu.memory_space<vmem>>, vector<64x128xi32>
    %get3A_62 = arith.constant 0 : index
    %get3A_63 = arith.constant 0 : index
    %get3A_64 = vector.load %arg22[%get3A_62, %get3A_63] : memref<128x64xi32, #tpu.memory_space<vmem>>, vector<128x64xi32>
    %dot_general3A = arith.constant dense<0.000000e+00> : vector<1x256xf32>
    %dot_general3A_65 = tpu.matmul %get3A_4, %get3A_19, %dot_general3A {dimension_numbers = #tpu.dot_dimension_numbers<[1], [1], [0], [0], [0, 0, 1, 0], [], []>, transpose_lhs_hint = false} : vector<1x256xf32>, vector<256x256xf32>, vector<1x256xf32> -> vector<1x256xf32>
    %add3A = arith.addf %dot_general3A_65, %get3A_22 : vector<1x256xf32>
    %tanh3A = math.tanh %add3A : vector<1x256xf32>
    %dot_general3A_66 = arith.constant dense<0.000000e+00> : vector<1x768xf32>
    %dot_general3A_67 = tpu.matmul %get3A_1, %get3A_7, %dot_general3A_66 {dimension_numbers = #tpu.dot_dimension_numbers<[1], [1], [0], [0], [0, 0, 1, 0], [], []>, transpose_lhs_hint = false} : vector<1x256xf32>, vector<768x256xf32>, vector<1x768xf32> -> vector<1x768xf32>
    %add3A_68 = arith.addf %dot_general3A_67, %get3A_13 : vector<1x768xf32>
    %dot_general3A_69 = arith.constant dense<0.000000e+00> : vector<1x768xf32>
    %dot_general3A_70 = tpu.matmul %tanh3A, %get3A_10, %dot_general3A_69 {dimension_numbers = #tpu.dot_dimension_numbers<[1], [1], [0], [0], [0, 0, 1, 0], [], []>, transpose_lhs_hint = false} : vector<1x256xf32>, vector<768x256xf32>, vector<1x768xf32> -> vector<1x768xf32>
    %add3A_71 = arith.addf %dot_general3A_70, %get3A_16 : vector<1x768xf32>
    %slice3A = vector.extract_strided_slice %add3A_68 {offsets = [0, 0], sizes = [1, 256], strides = [1, 1]} : vector<1x768xf32> to vector<1x256xf32>
    %slice3A_72 = vector.extract_strided_slice %add3A_68 {offsets = [0, 256], sizes = [1, 256], strides = [1, 1]} : vector<1x768xf32> to vector<1x256xf32>
    %slice3A_73 = vector.extract_strided_slice %add3A_68 {offsets = [0, 512], sizes = [1, 256], strides = [1, 1]} : vector<1x768xf32> to vector<1x256xf32>
    %slice3A_74 = vector.extract_strided_slice %add3A_71 {offsets = [0, 0], sizes = [1, 256], strides = [1, 1]} : vector<1x768xf32> to vector<1x256xf32>
    %slice3A_75 = vector.extract_strided_slice %add3A_71 {offsets = [0, 256], sizes = [1, 256], strides = [1, 1]} : vector<1x768xf32> to vector<1x256xf32>
    %slice3A_76 = vector.extract_strided_slice %add3A_71 {offsets = [0, 512], sizes = [1, 256], strides = [1, 1]} : vector<1x768xf32> to vector<1x256xf32>
    %add3A_77 = arith.addf %slice3A, %slice3A_74 : vector<1x256xf32>
    %logistic3A = arith.negf %add3A_77 : vector<1x256xf32>
    %logistic3A_78 = math.exp %logistic3A : vector<1x256xf32>
    %logistic3A_79 = arith.constant 1.000000e+00 : f32
    %logistic3A_80 = vector.broadcast %logistic3A_79 : f32 to vector<1x256xf32>
    %logistic3A_81 = arith.addf %logistic3A_80, %logistic3A_78 : vector<1x256xf32>
    %logistic3A_82 = arith.divf %logistic3A_80, %logistic3A_81 : vector<1x256xf32>
    %add3A_83 = arith.addf %slice3A_72, %slice3A_75 : vector<1x256xf32>
    %logistic3A_84 = arith.negf %add3A_83 : vector<1x256xf32>
    %logistic3A_85 = math.exp %logistic3A_84 : vector<1x256xf32>
    %logistic3A_86 = arith.constant 1.000000e+00 : f32
    %logistic3A_87 = vector.broadcast %logistic3A_86 : f32 to vector<1x256xf32>
    %logistic3A_88 = arith.addf %logistic3A_87, %logistic3A_85 : vector<1x256xf32>
    %logistic3A_89 = arith.divf %logistic3A_87, %logistic3A_88 : vector<1x256xf32>
    %mul3A = arith.mulf %logistic3A_82, %slice3A_76 : vector<1x256xf32>
    %add3A_90 = arith.addf %slice3A_73, %mul3A : vector<1x256xf32>
    %tanh3A_91 = math.tanh %add3A_90 : vector<1x256xf32>
    %sub3A = arith.constant 1.000000e+00 : f32
    %sub3A_92 = vector.broadcast %sub3A : f32 to vector<1x256xf32>
    %sub3A_93 = arith.subf %sub3A_92, %logistic3A_89 : vector<1x256xf32>
    %mul3A_94 = arith.mulf %sub3A_93, %tanh3A_91 : vector<1x256xf32>
    %mul3A_95 = arith.mulf %logistic3A_89, %tanh3A : vector<1x256xf32>
    %add3A_96 = arith.addf %mul3A_94, %mul3A_95 : vector<1x256xf32>
    %dot_general3A_97 = arith.constant dense<0.000000e+00> : vector<1x768xf32>
    %dot_general3A_98 = tpu.matmul %add3A_96, %get3A_7, %dot_general3A_97 {dimension_numbers = #tpu.dot_dimension_numbers<[1], [1], [0], [0], [0, 0, 1, 0], [], []>, transpose_lhs_hint = false} : vector<1x256xf32>, vector<768x256xf32>, vector<1x768xf32> -> vector<1x768xf32>
    %add3A_99 = arith.addf %dot_general3A_98, %get3A_13 : vector<1x768xf32>
    %dot_general3A_100 = arith.constant dense<0.000000e+00> : vector<2048x768xf32>
    %dot_general3A_101 = tpu.matmul %get3A_31, %get3A_10, %dot_general3A_100 {dimension_numbers = #tpu.dot_dimension_numbers<[1], [1], [0], [0], [0, 0, 1, 0], [], []>, transpose_lhs_hint = false} : vector<2048x256xf32>, vector<768x256xf32>, vector<2048x768xf32> -> vector<2048x768xf32>
    %add3A_102 = vector.broadcast %get3A_16 : vector<1x768xf32> to vector<2048x768xf32>
    %add3A_103 = arith.addf %dot_general3A_101, %add3A_102 : vector<2048x768xf32>
    %slice3A_104 = vector.extract_strided_slice %add3A_99 {offsets = [0, 0], sizes = [1, 256], strides = [1, 1]} : vector<1x768xf32> to vector<1x256xf32>
    %slice3A_105 = vector.extract_strided_slice %add3A_99 {offsets = [0, 256], sizes = [1, 256], strides = [1, 1]} : vector<1x768xf32> to vector<1x256xf32>
    %slice3A_106 = vector.extract_strided_slice %add3A_99 {offsets = [0, 512], sizes = [1, 256], strides = [1, 1]} : vector<1x768xf32> to vector<1x256xf32>
    %slice3A_107 = vector.extract_strided_slice %add3A_103 {offsets = [0, 0], sizes = [2048, 256], strides = [1, 1]} : vector<2048x768xf32> to vector<2048x256xf32>
    %slice3A_108 = vector.extract_strided_slice %add3A_103 {offsets = [0, 256], sizes = [2048, 256], strides = [1, 1]} : vector<2048x768xf32> to vector<2048x256xf32>
    %slice3A_109 = vector.extract_strided_slice %add3A_103 {offsets = [0, 512], sizes = [2048, 256], strides = [1, 1]} : vector<2048x768xf32> to vector<2048x256xf32>
    %add3A_110 = vector.broadcast %slice3A_104 : vector<1x256xf32> to vector<2048x256xf32>
    %add3A_111 = arith.addf %add3A_110, %slice3A_107 : vector<2048x256xf32>
    %logistic3A_112 = arith.negf %add3A_111 : vector<2048x256xf32>
    %logistic3A_113 = math.exp %logistic3A_112 : vector<2048x256xf32>
    %logistic3A_114 = arith.constant 1.000000e+00 : f32
    %logistic3A_115 = vector.broadcast %logistic3A_114 : f32 to vector<2048x256xf32>
    %logistic3A_116 = arith.addf %logistic3A_115, %logistic3A_113 : vector<2048x256xf32>
    %logistic3A_117 = arith.divf %logistic3A_115, %logistic3A_116 : vector<2048x256xf32>
    %add3A_118 = vector.broadcast %slice3A_105 : vector<1x256xf32> to vector<2048x256xf32>
    %add3A_119 = arith.addf %add3A_118, %slice3A_108 : vector<2048x256xf32>
    %logistic3A_120 = arith.negf %add3A_119 : vector<2048x256xf32>
    %logistic3A_121 = math.exp %logistic3A_120 : vector<2048x256xf32>
    %logistic3A_122 = arith.constant 1.000000e+00 : f32
    %logistic3A_123 = vector.broadcast %logistic3A_122 : f32 to vector<2048x256xf32>
    %logistic3A_124 = arith.addf %logistic3A_123, %logistic3A_121 : vector<2048x256xf32>
    %logistic3A_125 = arith.divf %logistic3A_123, %logistic3A_124 : vector<2048x256xf32>
    %mul3A_126 = arith.mulf %logistic3A_117, %slice3A_109 : vector<2048x256xf32>
    %add3A_127 = vector.broadcast %slice3A_106 : vector<1x256xf32> to vector<2048x256xf32>
    %add3A_128 = arith.addf %add3A_127, %mul3A_126 : vector<2048x256xf32>
    %tanh3A_129 = math.tanh %add3A_128 : vector<2048x256xf32>
    %sub3A_130 = arith.constant 1.000000e+00 : f32
    %sub3A_131 = vector.broadcast %sub3A_130 : f32 to vector<2048x256xf32>
    %sub3A_132 = arith.subf %sub3A_131, %logistic3A_125 : vector<2048x256xf32>
    %mul3A_133 = arith.mulf %sub3A_132, %tanh3A_129 : vector<2048x256xf32>
    %mul3A_134 = arith.mulf %logistic3A_125, %get3A_31 : vector<2048x256xf32>
    %add3A_135 = arith.addf %mul3A_133, %mul3A_134 : vector<2048x256xf32>
    %dot_general3A_136 = arith.constant dense<0.000000e+00> : vector<2048x256xf32>
    %dot_general3A_137 = tpu.matmul %add3A_135, %get3A_25, %dot_general3A_136 {dimension_numbers = #tpu.dot_dimension_numbers<[1], [1], [0], [0], [0, 0, 1, 0], [], []>, transpose_lhs_hint = false} : vector<2048x256xf32>, vector<256x256xf32>, vector<2048x256xf32> -> vector<2048x256xf32>
    %add3A_138 = vector.broadcast %get3A_28 : vector<1x256xf32> to vector<2048x256xf32>
    %add3A_139 = arith.addf %dot_general3A_137, %add3A_138 : vector<2048x256xf32>
    %tanh3A_140 = math.tanh %add3A_139 : vector<2048x256xf32>
    %shift_right_logical3A = arith.constant 7 : i32
    %shift_right_logical3A_141 = vector.broadcast %shift_right_logical3A : i32 to vector<1x4096xi32>
    %shift_right_logical3A_142 = arith.shrui %get3A_55, %shift_right_logical3A_141 : vector<1x4096xi32>
    %iota3A = tpu.iota {dimensions = array<i32: 0>} : vector<16x1xi32>
    %eq3A = vector.broadcast %iota3A : vector<16x1xi32> to vector<16x4096xi32>
    %eq3A_143 = vector.broadcast %shift_right_logical3A_142 : vector<1x4096xi32> to vector<16x4096xi32>
    %eq3A_144 = arith.cmpi eq, %eq3A, %eq3A_143 : vector<16x4096xi32>
    %convert_element_type3A = arith.extui %eq3A_144 : vector<16x4096xi1> to vector<16x4096xi32>
    %convert_element_type3A_145 = arith.sitofp %convert_element_type3A : vector<16x4096xi32> to vector<16x4096xf32>
    %and3A = arith.constant 127 : i32
    %and3A_146 = vector.broadcast %and3A : i32 to vector<1x4096xi32>
    %and3A_147 = arith.andi %get3A_55, %and3A_146 : vector<1x4096xi32>
    %iota3A_148 = tpu.iota {dimensions = array<i32: 0>} : vector<128x1xi32>
    %eq3A_149 = vector.broadcast %iota3A_148 : vector<128x1xi32> to vector<128x4096xi32>
    %eq3A_150 = vector.broadcast %and3A_147 : vector<1x4096xi32> to vector<128x4096xi32>
    %eq3A_151 = arith.cmpi eq, %eq3A_149, %eq3A_150 : vector<128x4096xi32>
    %convert_element_type3A_152 = arith.extui %eq3A_151 : vector<128x4096xi1> to vector<128x4096xi32>
    %convert_element_type3A_153 = arith.sitofp %convert_element_type3A_152 : vector<128x4096xi32> to vector<128x4096xf32>
    %dot_general3A_154 = arith.constant dense<0.000000e+00> : vector<16x128xf32>
    %dot_general3A_155 = tpu.matmul %convert_element_type3A_145, %convert_element_type3A_153, %dot_general3A_154 {dimension_numbers = #tpu.dot_dimension_numbers<[1], [1], [0], [0], [0, 0, 1, 0], [], []>, transpose_lhs_hint = false} : vector<16x4096xf32>, vector<128x4096xf32>, vector<16x128xf32> -> vector<16x128xf32>
    %reshape3A = vector.shape_cast %dot_general3A_155 : vector<16x128xf32> to vector<1x2048xf32>
    %dot_general3A_156 = arith.constant dense<0.000000e+00> : vector<1x256xf32>
    %dot_general3A_157 = tpu.matmul %reshape3A, %tanh3A_140, %dot_general3A_156 {dimension_numbers = #tpu.dot_dimension_numbers<[1], [0], [0], [1], [0, 0, 1, 1], [], []>, transpose_lhs_hint = false} : vector<1x2048xf32>, vector<2048x256xf32>, vector<1x256xf32> -> vector<1x256xf32>
    %shift_right_logical3A_158 = arith.constant 7 : i32
    %shift_right_logical3A_159 = vector.broadcast %shift_right_logical3A_158 : i32 to vector<1x4096xi32>
    %shift_right_logical3A_160 = arith.shrui %get3A_58, %shift_right_logical3A_159 : vector<1x4096xi32>
    %iota3A_161 = tpu.iota {dimensions = array<i32: 0>} : vector<8x1xi32>
    %eq3A_162 = vector.broadcast %iota3A_161 : vector<8x1xi32> to vector<8x4096xi32>
    %eq3A_163 = vector.broadcast %shift_right_logical3A_160 : vector<1x4096xi32> to vector<8x4096xi32>
    %eq3A_164 = arith.cmpi eq, %eq3A_162, %eq3A_163 : vector<8x4096xi32>
    %convert_element_type3A_165 = arith.extui %eq3A_164 : vector<8x4096xi1> to vector<8x4096xi32>
    %convert_element_type3A_166 = arith.sitofp %convert_element_type3A_165 : vector<8x4096xi32> to vector<8x4096xf32>
    %and3A_167 = arith.constant 127 : i32
    %and3A_168 = vector.broadcast %and3A_167 : i32 to vector<1x4096xi32>
    %and3A_169 = arith.andi %get3A_58, %and3A_168 : vector<1x4096xi32>
    %iota3A_170 = tpu.iota {dimensions = array<i32: 0>} : vector<128x1xi32>
    %eq3A_171 = vector.broadcast %iota3A_170 : vector<128x1xi32> to vector<128x4096xi32>
    %eq3A_172 = vector.broadcast %and3A_169 : vector<1x4096xi32> to vector<128x4096xi32>
    %eq3A_173 = arith.cmpi eq, %eq3A_171, %eq3A_172 : vector<128x4096xi32>
    %convert_element_type3A_174 = arith.extui %eq3A_173 : vector<128x4096xi1> to vector<128x4096xi32>
    %convert_element_type3A_175 = arith.sitofp %convert_element_type3A_174 : vector<128x4096xi32> to vector<128x4096xf32>
    %dot_general3A_176 = arith.constant dense<0.000000e+00> : vector<8x128xf32>
    %dot_general3A_177 = tpu.matmul %convert_element_type3A_166, %convert_element_type3A_175, %dot_general3A_176 {dimension_numbers = #tpu.dot_dimension_numbers<[1], [1], [0], [0], [0, 0, 1, 0], [], []>, transpose_lhs_hint = false} : vector<8x4096xf32>, vector<128x4096xf32>, vector<8x128xf32> -> vector<8x128xf32>
    %reshape3A_178 = vector.shape_cast %dot_general3A_177 : vector<8x128xf32> to vector<1x1024xf32>
    %slice3A_179 = vector.extract_strided_slice %reshape3A_178 {offsets = [0, 0], sizes = [1, 1000], strides = [1, 1]} : vector<1x1024xf32> to vector<1x1000xf32>
    %dot_general3A_180 = arith.constant dense<0.000000e+00> : vector<1x256xf32>
    %dot_general3A_181 = tpu.matmul %slice3A_179, %get3A_34, %dot_general3A_180 {dimension_numbers = #tpu.dot_dimension_numbers<[1], [0], [0], [1], [0, 0, 1, 1], [], []>, transpose_lhs_hint = false} : vector<1x1000xf32>, vector<1000x256xf32>, vector<1x256xf32> -> vector<1x256xf32>
    %add3A_182 = arith.addf %dot_general3A_157, %dot_general3A_181 : vector<1x256xf32>
    %mul3A_183 = arith.constant 2.44140625E-4 : f32
    %mul3A_184 = vector.broadcast %mul3A_183 : f32 to vector<1x256xf32>
    %mul3A_185 = arith.mulf %add3A_182, %mul3A_184 : vector<1x256xf32>
    %convert_element_type3A_186 = arith.sitofp %get3A_64 : vector<128x64xi32> to vector<128x64xf32>
    %and3A_187 = arith.constant 127 : i32
    %and3A_188 = vector.broadcast %and3A_187 : i32 to vector<1x1024xi32>
    %and3A_189 = arith.andi %get3A_46, %and3A_188 : vector<1x1024xi32>
    %iota3A_190 = tpu.iota {dimensions = array<i32: 0>} : vector<128x1xi32>
    %eq3A_191 = vector.broadcast %iota3A_190 : vector<128x1xi32> to vector<128x1024xi32>
    %eq3A_192 = vector.broadcast %and3A_189 : vector<1x1024xi32> to vector<128x1024xi32>
    %eq3A_193 = arith.cmpi eq, %eq3A_191, %eq3A_192 : vector<128x1024xi32>
    %convert_element_type3A_194 = arith.extui %eq3A_193 : vector<128x1024xi1> to vector<128x1024xi32>
    %convert_element_type3A_195 = arith.sitofp %convert_element_type3A_194 : vector<128x1024xi32> to vector<128x1024xf32>
    %and3A_196 = arith.constant 127 : i32
    %and3A_197 = vector.broadcast %and3A_196 : i32 to vector<1x2048xi32>
    %and3A_198 = arith.andi %get3A_52, %and3A_197 : vector<1x2048xi32>
    %iota3A_199 = tpu.iota {dimensions = array<i32: 0>} : vector<128x1xi32>
    %eq3A_200 = vector.broadcast %iota3A_199 : vector<128x1xi32> to vector<128x2048xi32>
    %eq3A_201 = vector.broadcast %and3A_198 : vector<1x2048xi32> to vector<128x2048xi32>
    %eq3A_202 = arith.cmpi eq, %eq3A_200, %eq3A_201 : vector<128x2048xi32>
    %convert_element_type3A_203 = arith.extui %eq3A_202 : vector<128x2048xi1> to vector<128x2048xi32>
    %convert_element_type3A_204 = arith.sitofp %convert_element_type3A_203 : vector<128x2048xi32> to vector<128x2048xf32>
    %shift_right_logical3A_205 = arith.constant 7 : i32
    %shift_right_logical3A_206 = vector.broadcast %shift_right_logical3A_205 : i32 to vector<1x1024xi32>
    %shift_right_logical3A_207 = arith.shrui %get3A_46, %shift_right_logical3A_206 : vector<1x1024xi32>
    %iota3A_208 = tpu.iota {dimensions = array<i32: 0>} : vector<64x1xi32>
    %eq3A_209 = vector.broadcast %iota3A_208 : vector<64x1xi32> to vector<64x1024xi32>
    %eq3A_210 = vector.broadcast %shift_right_logical3A_207 : vector<1x1024xi32> to vector<64x1024xi32>
    %eq3A_211 = arith.cmpi eq, %eq3A_209, %eq3A_210 : vector<64x1024xi32>
    %convert_element_type3A_212 = arith.extui %eq3A_211 : vector<64x1024xi1> to vector<64x1024xi32>
    %convert_element_type3A_213 = arith.sitofp %convert_element_type3A_212 : vector<64x1024xi32> to vector<64x1024xf32>
    %dot_general3A_214 = arith.constant dense<0.000000e+00> : vector<128x64xf32>
    %dot_general3A_215 = tpu.matmul %convert_element_type3A_195, %convert_element_type3A_213, %dot_general3A_214 {dimension_numbers = #tpu.dot_dimension_numbers<[1], [1], [0], [0], [0, 0, 1, 0], [], []>, transpose_lhs_hint = false} : vector<128x1024xf32>, vector<64x1024xf32>, vector<128x64xf32> -> vector<128x64xf32>
    %shift_right_logical3A_216 = arith.constant 7 : i32
    %shift_right_logical3A_217 = vector.broadcast %shift_right_logical3A_216 : i32 to vector<1x2048xi32>
    %shift_right_logical3A_218 = arith.shrui %get3A_52, %shift_right_logical3A_217 : vector<1x2048xi32>
    %iota3A_219 = tpu.iota {dimensions = array<i32: 0>} : vector<64x1xi32>
    %eq3A_220 = vector.broadcast %iota3A_219 : vector<64x1xi32> to vector<64x2048xi32>
    %eq3A_221 = vector.broadcast %shift_right_logical3A_218 : vector<1x2048xi32> to vector<64x2048xi32>
    %eq3A_222 = arith.cmpi eq, %eq3A_220, %eq3A_221 : vector<64x2048xi32>
    %convert_element_type3A_223 = arith.extui %eq3A_222 : vector<64x2048xi1> to vector<64x2048xi32>
    %convert_element_type3A_224 = arith.sitofp %convert_element_type3A_223 : vector<64x2048xi32> to vector<64x2048xf32>
    %dot_general3A_225 = arith.constant dense<0.000000e+00> : vector<128x64xf32>
    %dot_general3A_226 = tpu.matmul %convert_element_type3A_204, %convert_element_type3A_224, %dot_general3A_225 {dimension_numbers = #tpu.dot_dimension_numbers<[1], [1], [0], [0], [0, 0, 1, 0], [], []>, transpose_lhs_hint = false} : vector<128x2048xf32>, vector<64x2048xf32>, vector<128x64xf32> -> vector<128x64xf32>
    %add3A_227 = arith.addf %dot_general3A_215, %dot_general3A_226 : vector<128x64xf32>
    %add3A_228 = arith.addf %add3A_227, %convert_element_type3A_186 : vector<128x64xf32>
    %shift_right_logical3A_229 = arith.constant 7 : i32
    %shift_right_logical3A_230 = vector.broadcast %shift_right_logical3A_229 : i32 to vector<1x512xi32>
    %shift_right_logical3A_231 = arith.shrui %get3A_40, %shift_right_logical3A_230 : vector<1x512xi32>
    %iota3A_232 = tpu.iota {dimensions = array<i32: 0>} : vector<64x1xi32>
    %eq3A_233 = vector.broadcast %iota3A_232 : vector<64x1xi32> to vector<64x512xi32>
    %eq3A_234 = vector.broadcast %shift_right_logical3A_231 : vector<1x512xi32> to vector<64x512xi32>
    %eq3A_235 = arith.cmpi eq, %eq3A_233, %eq3A_234 : vector<64x512xi32>
    %convert_element_type3A_236 = arith.extui %eq3A_235 : vector<64x512xi1> to vector<64x512xi32>
    %convert_element_type3A_237 = arith.sitofp %convert_element_type3A_236 : vector<64x512xi32> to vector<64x512xf32>
    %and3A_238 = arith.constant 127 : i32
    %and3A_239 = vector.broadcast %and3A_238 : i32 to vector<1x512xi32>
    %and3A_240 = arith.andi %get3A_40, %and3A_239 : vector<1x512xi32>
    %iota3A_241 = tpu.iota {dimensions = array<i32: 0>} : vector<128x1xi32>
    %eq3A_242 = vector.broadcast %iota3A_241 : vector<128x1xi32> to vector<128x512xi32>
    %eq3A_243 = vector.broadcast %and3A_240 : vector<1x512xi32> to vector<128x512xi32>
    %eq3A_244 = arith.cmpi eq, %eq3A_242, %eq3A_243 : vector<128x512xi32>
    %convert_element_type3A_245 = arith.extui %eq3A_244 : vector<128x512xi1> to vector<128x512xi32>
    %convert_element_type3A_246 = arith.sitofp %convert_element_type3A_245 : vector<128x512xi32> to vector<128x512xf32>
    %dot_general3A_247 = arith.constant dense<0.000000e+00> : vector<128x512xf32>
    %dot_general3A_248 = tpu.matmul %add3A_228, %convert_element_type3A_237, %dot_general3A_247 {dimension_numbers = #tpu.dot_dimension_numbers<[1], [0], [0], [1], [0, 0, 1, 1], [], []>, transpose_lhs_hint = false} : vector<128x64xf32>, vector<64x512xf32>, vector<128x512xf32> -> vector<128x512xf32>
    %mul3A_249 = arith.mulf %dot_general3A_248, %convert_element_type3A_246 : vector<128x512xf32>
    %reduce_sum3A = arith.constant dense<0.000000e+00> : vector<512xf32>
    %reduce_sum3A_250 = vector.multi_reduction <add>, %mul3A_249, %reduce_sum3A [0] : vector<128x512xf32> to vector<512xf32>
    %broadcast_in_dim3A = vector.shape_cast %reduce_sum3A_250 : vector<512xf32> to vector<1x512xf32>
    %iota3A_251 = tpu.iota {dimensions = array<i32: 0>} : vector<512x1xi32>
    %iota3A_252 = tpu.iota {dimensions = array<i32: 1>} : vector<1x512xi32>
    %eq3A_253 = vector.broadcast %get3A_37 : vector<512x1xi32> to vector<512x512xi32>
    %eq3A_254 = vector.broadcast %get3A_40 : vector<1x512xi32> to vector<512x512xi32>
    %eq3A_255 = arith.cmpi eq, %eq3A_253, %eq3A_254 : vector<512x512xi32>
    %gt3A = vector.broadcast %iota3A_251 : vector<512x1xi32> to vector<512x512xi32>
    %gt3A_256 = vector.broadcast %iota3A_252 : vector<1x512xi32> to vector<512x512xi32>
    %gt3A_257 = arith.cmpi sgt, %gt3A, %gt3A_256 : vector<512x512xi32>
    %and3A_258 = arith.andi %eq3A_255, %gt3A_257 : vector<512x512xi1>
    %jit3A = arith.constant 1.000000e+00 : f32
    %jit3A_259 = arith.constant 0.000000e+00 : f32
    %broadcast_in_dim3A_260 = vector.broadcast %jit3A : f32 to vector<512x512xf32>
    %broadcast_in_dim3A_261 = vector.broadcast %jit3A_259 : f32 to vector<512x512xf32>
    %select_n3A = arith.select %and3A_258, %broadcast_in_dim3A_260, %broadcast_in_dim3A_261 : vector<512x512xi1>, vector<512x512xf32>
    %reduce_sum3A_262 = arith.constant dense<0.000000e+00> : vector<512xf32>
    %reduce_sum3A_263 = vector.multi_reduction <add>, %select_n3A, %reduce_sum3A_262 [0] : vector<512x512xf32> to vector<512xf32>
    %broadcast_in_dim3A_264 = vector.shape_cast %reduce_sum3A_263 : vector<512xf32> to vector<1x512xf32>
    %add3A_265 = arith.addf %broadcast_in_dim3A, %broadcast_in_dim3A_264 : vector<1x512xf32>
    %eq3A_266 = arith.constant 0.000000e+00 : f32
    %eq3A_267 = vector.broadcast %eq3A_266 : f32 to vector<1x512xf32>
    %eq3A_268 = arith.cmpf oeq, %add3A_265, %eq3A_267 : vector<1x512xf32>
    %jit3A_269 = arith.constant 1.000000e+00 : f32
    %jit3A_270 = arith.constant 0.000000e+00 : f32
    %broadcast_in_dim3A_271 = vector.broadcast %jit3A_269 : f32 to vector<1x512xf32>
    %broadcast_in_dim3A_272 = vector.broadcast %jit3A_270 : f32 to vector<1x512xf32>
    %select_n3A_273 = arith.select %eq3A_268, %broadcast_in_dim3A_271, %broadcast_in_dim3A_272 : vector<1x512xi1>, vector<1x512xf32>
    %convert_element_type3A_274 = arith.sitofp %iota3A_252 : vector<1x512xi32> to vector<1x512xf32>
    %add3A_275 = arith.constant 8.000000e+00 : f32
    %add3A_276 = vector.broadcast %add3A_275 : f32 to vector<1x512xf32>
    %add3A_277 = arith.addf %add3A_276, %convert_element_type3A_274 : vector<1x512xf32>
    %mul3A_278 = arith.mulf %select_n3A_273, %add3A_277 : vector<1x512xf32>
    %mul3A_279 = vector.broadcast %mul3A_278 : vector<1x512xf32> to vector<64x512xf32>
    %mul3A_280 = arith.mulf %convert_element_type3A_237, %mul3A_279 : vector<64x512xf32>
    %dot_general3A_281 = arith.constant dense<0.000000e+00> : vector<64x128xf32>
    %dot_general3A_282 = tpu.matmul %mul3A_280, %convert_element_type3A_246, %dot_general3A_281 {dimension_numbers = #tpu.dot_dimension_numbers<[1], [1], [0], [0], [0, 0, 1, 0], [], []>, precision = #tpu.contract_precision<fp32>, transpose_lhs_hint = false} : vector<64x512xf32>, vector<128x512xf32>, vector<64x128xf32> -> vector<64x128xf32>
    %add3A_283 = arith.addf %dot_general3A_226, %convert_element_type3A_186 : vector<128x64xf32>
    %shift_right_logical3A_284 = arith.constant 7 : i32
    %shift_right_logical3A_285 = vector.broadcast %shift_right_logical3A_284 : i32 to vector<1x1024xi32>
    %shift_right_logical3A_286 = arith.shrui %get3A_46, %shift_right_logical3A_285 : vector<1x1024xi32>
    %iota3A_287 = tpu.iota {dimensions = array<i32: 0>} : vector<64x1xi32>
    %eq3A_288 = vector.broadcast %iota3A_287 : vector<64x1xi32> to vector<64x1024xi32>
    %eq3A_289 = vector.broadcast %shift_right_logical3A_286 : vector<1x1024xi32> to vector<64x1024xi32>
    %eq3A_290 = arith.cmpi eq, %eq3A_288, %eq3A_289 : vector<64x1024xi32>
    %convert_element_type3A_291 = arith.extui %eq3A_290 : vector<64x1024xi1> to vector<64x1024xi32>
    %convert_element_type3A_292 = arith.sitofp %convert_element_type3A_291 : vector<64x1024xi32> to vector<64x1024xf32>
    %and3A_293 = arith.constant 127 : i32
    %and3A_294 = vector.broadcast %and3A_293 : i32 to vector<1x1024xi32>
    %and3A_295 = arith.andi %get3A_46, %and3A_294 : vector<1x1024xi32>
    %iota3A_296 = tpu.iota {dimensions = array<i32: 0>} : vector<128x1xi32>
    %eq3A_297 = vector.broadcast %iota3A_296 : vector<128x1xi32> to vector<128x1024xi32>
    %eq3A_298 = vector.broadcast %and3A_295 : vector<1x1024xi32> to vector<128x1024xi32>
    %eq3A_299 = arith.cmpi eq, %eq3A_297, %eq3A_298 : vector<128x1024xi32>
    %convert_element_type3A_300 = arith.extui %eq3A_299 : vector<128x1024xi1> to vector<128x1024xi32>
    %convert_element_type3A_301 = arith.sitofp %convert_element_type3A_300 : vector<128x1024xi32> to vector<128x1024xf32>
    %dot_general3A_302 = arith.constant dense<0.000000e+00> : vector<128x1024xf32>
    %dot_general3A_303 = tpu.matmul %add3A_283, %convert_element_type3A_292, %dot_general3A_302 {dimension_numbers = #tpu.dot_dimension_numbers<[1], [0], [0], [1], [0, 0, 1, 1], [], []>, transpose_lhs_hint = false} : vector<128x64xf32>, vector<64x1024xf32>, vector<128x1024xf32> -> vector<128x1024xf32>
    %mul3A_304 = arith.mulf %dot_general3A_303, %convert_element_type3A_301 : vector<128x1024xf32>
    %reduce_sum3A_305 = arith.constant dense<0.000000e+00> : vector<1024xf32>
    %reduce_sum3A_306 = vector.multi_reduction <add>, %mul3A_304, %reduce_sum3A_305 [0] : vector<128x1024xf32> to vector<1024xf32>
    %broadcast_in_dim3A_307 = vector.shape_cast %reduce_sum3A_306 : vector<1024xf32> to vector<1x1024xf32>
    %iota3A_308 = tpu.iota {dimensions = array<i32: 0>} : vector<1024x1xi32>
    %iota3A_309 = tpu.iota {dimensions = array<i32: 1>} : vector<1x1024xi32>
    %eq3A_310 = vector.broadcast %get3A_43 : vector<1024x1xi32> to vector<1024x1024xi32>
    %eq3A_311 = vector.broadcast %get3A_46 : vector<1x1024xi32> to vector<1024x1024xi32>
    %eq3A_312 = arith.cmpi eq, %eq3A_310, %eq3A_311 : vector<1024x1024xi32>
    %gt3A_313 = vector.broadcast %iota3A_308 : vector<1024x1xi32> to vector<1024x1024xi32>
    %gt3A_314 = vector.broadcast %iota3A_309 : vector<1x1024xi32> to vector<1024x1024xi32>
    %gt3A_315 = arith.cmpi sgt, %gt3A_313, %gt3A_314 : vector<1024x1024xi32>
    %and3A_316 = arith.andi %eq3A_312, %gt3A_315 : vector<1024x1024xi1>
    %jit3A_317 = arith.constant 1.000000e+00 : f32
    %jit3A_318 = arith.constant 0.000000e+00 : f32
    %broadcast_in_dim3A_319 = vector.broadcast %jit3A_317 : f32 to vector<1024x1024xf32>
    %broadcast_in_dim3A_320 = vector.broadcast %jit3A_318 : f32 to vector<1024x1024xf32>
    %select_n3A_321 = arith.select %and3A_316, %broadcast_in_dim3A_319, %broadcast_in_dim3A_320 : vector<1024x1024xi1>, vector<1024x1024xf32>
    %reduce_sum3A_322 = arith.constant dense<0.000000e+00> : vector<1024xf32>
    %reduce_sum3A_323 = vector.multi_reduction <add>, %select_n3A_321, %reduce_sum3A_322 [0] : vector<1024x1024xf32> to vector<1024xf32>
    %broadcast_in_dim3A_324 = vector.shape_cast %reduce_sum3A_323 : vector<1024xf32> to vector<1x1024xf32>
    %add3A_325 = arith.addf %broadcast_in_dim3A_307, %broadcast_in_dim3A_324 : vector<1x1024xf32>
    %eq3A_326 = arith.constant 0.000000e+00 : f32
    %eq3A_327 = vector.broadcast %eq3A_326 : f32 to vector<1x1024xf32>
    %eq3A_328 = arith.cmpf oeq, %add3A_325, %eq3A_327 : vector<1x1024xf32>
    %jit3A_329 = arith.constant 1.000000e+00 : f32
    %jit3A_330 = arith.constant 0.000000e+00 : f32
    %broadcast_in_dim3A_331 = vector.broadcast %jit3A_329 : f32 to vector<1x1024xf32>
    %broadcast_in_dim3A_332 = vector.broadcast %jit3A_330 : f32 to vector<1x1024xf32>
    %select_n3A_333 = arith.select %eq3A_328, %broadcast_in_dim3A_331, %broadcast_in_dim3A_332 : vector<1x1024xi1>, vector<1x1024xf32>
    %convert_element_type3A_334 = arith.sitofp %iota3A_309 : vector<1x1024xi32> to vector<1x1024xf32>
    %add3A_335 = arith.constant 5.200000e+02 : f32
    %add3A_336 = vector.broadcast %add3A_335 : f32 to vector<1x1024xf32>
    %add3A_337 = arith.addf %add3A_336, %convert_element_type3A_334 : vector<1x1024xf32>
    %mul3A_338 = arith.mulf %select_n3A_333, %add3A_337 : vector<1x1024xf32>
    %mul3A_339 = vector.broadcast %mul3A_338 : vector<1x1024xf32> to vector<64x1024xf32>
    %mul3A_340 = arith.mulf %convert_element_type3A_292, %mul3A_339 : vector<64x1024xf32>
    %dot_general3A_341 = arith.constant dense<0.000000e+00> : vector<64x128xf32>
    %dot_general3A_342 = tpu.matmul %mul3A_340, %convert_element_type3A_301, %dot_general3A_341 {dimension_numbers = #tpu.dot_dimension_numbers<[1], [1], [0], [0], [0, 0, 1, 0], [], []>, precision = #tpu.contract_precision<fp32>, transpose_lhs_hint = false} : vector<64x1024xf32>, vector<128x1024xf32>, vector<64x128xf32> -> vector<64x128xf32>
    %shift_right_logical3A_343 = arith.constant 7 : i32
    %shift_right_logical3A_344 = vector.broadcast %shift_right_logical3A_343 : i32 to vector<1x2048xi32>
    %shift_right_logical3A_345 = arith.shrui %get3A_52, %shift_right_logical3A_344 : vector<1x2048xi32>
    %iota3A_346 = tpu.iota {dimensions = array<i32: 0>} : vector<64x1xi32>
    %eq3A_347 = vector.broadcast %iota3A_346 : vector<64x1xi32> to vector<64x2048xi32>
    %eq3A_348 = vector.broadcast %shift_right_logical3A_345 : vector<1x2048xi32> to vector<64x2048xi32>
    %eq3A_349 = arith.cmpi eq, %eq3A_347, %eq3A_348 : vector<64x2048xi32>
    %convert_element_type3A_350 = arith.extui %eq3A_349 : vector<64x2048xi1> to vector<64x2048xi32>
    %convert_element_type3A_351 = arith.sitofp %convert_element_type3A_350 : vector<64x2048xi32> to vector<64x2048xf32>
    %and3A_352 = arith.constant 127 : i32
    %and3A_353 = vector.broadcast %and3A_352 : i32 to vector<1x2048xi32>
    %and3A_354 = arith.andi %get3A_52, %and3A_353 : vector<1x2048xi32>
    %iota3A_355 = tpu.iota {dimensions = array<i32: 0>} : vector<128x1xi32>
    %eq3A_356 = vector.broadcast %iota3A_355 : vector<128x1xi32> to vector<128x2048xi32>
    %eq3A_357 = vector.broadcast %and3A_354 : vector<1x2048xi32> to vector<128x2048xi32>
    %eq3A_358 = arith.cmpi eq, %eq3A_356, %eq3A_357 : vector<128x2048xi32>
    %convert_element_type3A_359 = arith.extui %eq3A_358 : vector<128x2048xi1> to vector<128x2048xi32>
    %convert_element_type3A_360 = arith.sitofp %convert_element_type3A_359 : vector<128x2048xi32> to vector<128x2048xf32>
    %dot_general3A_361 = arith.constant dense<0.000000e+00> : vector<128x2048xf32>
    %dot_general3A_362 = tpu.matmul %convert_element_type3A_186, %convert_element_type3A_351, %dot_general3A_361 {dimension_numbers = #tpu.dot_dimension_numbers<[1], [0], [0], [1], [0, 0, 1, 1], [], []>, transpose_lhs_hint = false} : vector<128x64xf32>, vector<64x2048xf32>, vector<128x2048xf32> -> vector<128x2048xf32>
    %mul3A_363 = arith.mulf %dot_general3A_362, %convert_element_type3A_360 : vector<128x2048xf32>
    %reduce_sum3A_364 = arith.constant dense<0.000000e+00> : vector<2048xf32>
    %reduce_sum3A_365 = vector.multi_reduction <add>, %mul3A_363, %reduce_sum3A_364 [0] : vector<128x2048xf32> to vector<2048xf32>
    %broadcast_in_dim3A_366 = vector.shape_cast %reduce_sum3A_365 : vector<2048xf32> to vector<1x2048xf32>
    %iota3A_367 = tpu.iota {dimensions = array<i32: 0>} : vector<2048x1xi32>
    %iota3A_368 = tpu.iota {dimensions = array<i32: 1>} : vector<1x2048xi32>
    %eq3A_369 = vector.broadcast %get3A_49 : vector<2048x1xi32> to vector<2048x2048xi32>
    %eq3A_370 = vector.broadcast %get3A_52 : vector<1x2048xi32> to vector<2048x2048xi32>
    %eq3A_371 = arith.cmpi eq, %eq3A_369, %eq3A_370 : vector<2048x2048xi32>
    %gt3A_372 = vector.broadcast %iota3A_367 : vector<2048x1xi32> to vector<2048x2048xi32>
    %gt3A_373 = vector.broadcast %iota3A_368 : vector<1x2048xi32> to vector<2048x2048xi32>
    %gt3A_374 = arith.cmpi sgt, %gt3A_372, %gt3A_373 : vector<2048x2048xi32>
    %and3A_375 = arith.andi %eq3A_371, %gt3A_374 : vector<2048x2048xi1>
    %jit3A_376 = arith.constant 1.000000e+00 : f32
    %jit3A_377 = arith.constant 0.000000e+00 : f32
    %broadcast_in_dim3A_378 = vector.broadcast %jit3A_376 : f32 to vector<2048x2048xf32>
    %broadcast_in_dim3A_379 = vector.broadcast %jit3A_377 : f32 to vector<2048x2048xf32>
    %select_n3A_380 = arith.select %and3A_375, %broadcast_in_dim3A_378, %broadcast_in_dim3A_379 : vector<2048x2048xi1>, vector<2048x2048xf32>
    %reduce_sum3A_381 = arith.constant dense<0.000000e+00> : vector<2048xf32>
    %reduce_sum3A_382 = vector.multi_reduction <add>, %select_n3A_380, %reduce_sum3A_381 [0] : vector<2048x2048xf32> to vector<2048xf32>
    %broadcast_in_dim3A_383 = vector.shape_cast %reduce_sum3A_382 : vector<2048xf32> to vector<1x2048xf32>
    %add3A_384 = arith.addf %broadcast_in_dim3A_366, %broadcast_in_dim3A_383 : vector<1x2048xf32>
    %eq3A_385 = arith.constant 0.000000e+00 : f32
    %eq3A_386 = vector.broadcast %eq3A_385 : f32 to vector<1x2048xf32>
    %eq3A_387 = arith.cmpf oeq, %add3A_384, %eq3A_386 : vector<1x2048xf32>
    %jit3A_388 = arith.constant 1.000000e+00 : f32
    %jit3A_389 = arith.constant 0.000000e+00 : f32
    %broadcast_in_dim3A_390 = vector.broadcast %jit3A_388 : f32 to vector<1x2048xf32>
    %broadcast_in_dim3A_391 = vector.broadcast %jit3A_389 : f32 to vector<1x2048xf32>
    %select_n3A_392 = arith.select %eq3A_387, %broadcast_in_dim3A_390, %broadcast_in_dim3A_391 : vector<1x2048xi1>, vector<1x2048xf32>
    %convert_element_type3A_393 = arith.sitofp %iota3A_368 : vector<1x2048xi32> to vector<1x2048xf32>
    %add3A_394 = arith.constant 1.544000e+03 : f32
    %add3A_395 = vector.broadcast %add3A_394 : f32 to vector<1x2048xf32>
    %add3A_396 = arith.addf %add3A_395, %convert_element_type3A_393 : vector<1x2048xf32>
    %mul3A_397 = arith.mulf %select_n3A_392, %add3A_396 : vector<1x2048xf32>
    %mul3A_398 = vector.broadcast %mul3A_397 : vector<1x2048xf32> to vector<64x2048xf32>
    %mul3A_399 = arith.mulf %convert_element_type3A_351, %mul3A_398 : vector<64x2048xf32>
    %dot_general3A_400 = arith.constant dense<0.000000e+00> : vector<64x128xf32>
    %dot_general3A_401 = tpu.matmul %mul3A_399, %convert_element_type3A_360, %dot_general3A_400 {dimension_numbers = #tpu.dot_dimension_numbers<[1], [1], [0], [0], [0, 0, 1, 0], [], []>, precision = #tpu.contract_precision<fp32>, transpose_lhs_hint = false} : vector<64x2048xf32>, vector<128x2048xf32>, vector<64x128xf32> -> vector<64x128xf32>
    %eq3A_402 = arith.constant 0 : i32
    %eq3A_403 = vector.broadcast %eq3A_402 : i32 to vector<1x512xi32>
    %eq3A_404 = arith.cmpi eq, %get3A_40, %eq3A_403 : vector<1x512xi32>
    %convert_element_type3A_405 = arith.extui %eq3A_404 : vector<1x512xi1> to vector<1x512xi32>
    %convert_element_type3A_406 = arith.sitofp %convert_element_type3A_405 : vector<1x512xi32> to vector<1x512xf32>
    %reduce_sum3A_407 = vector.shape_cast %convert_element_type3A_406 : vector<1x512xf32> to vector<1x1x512xf32>
    %reduce_sum3A_408 = arith.constant dense<0.000000e+00> : vector<1xf32>
    %reduce_sum3A_409 = vector.multi_reduction <add>, %reduce_sum3A_407, %reduce_sum3A_408 [1, 2] : vector<1x1x512xf32> to vector<1xf32>
    %reduce_sum3A_410 = vector.shape_cast %reduce_sum3A_409 : vector<1xf32> to vector<1x1x1xf32>
    %reduce_sum3A_411 = vector.extract %reduce_sum3A_410[0, 0, 0] : f32 from vector<1x1x1xf32>
    %add3A_412 = arith.addf %dot_general3A_215, %dot_general3A_226 : vector<128x64xf32>
    %add3A_413 = arith.addf %add3A_412, %convert_element_type3A_186 : vector<128x64xf32>
    %slice3A_414 = vector.extract_strided_slice %add3A_413 {offsets = [0, 0], sizes = [1, 1], strides = [1, 1]} : vector<128x64xf32> to vector<1x1xf32>
    %squeeze3A = vector.extract %slice3A_414[0, 0] : f32 from vector<1x1xf32>
    %add3A_415 = arith.addf %reduce_sum3A_411, %squeeze3A : f32
    %iota3A_416 = tpu.iota {dimensions = array<i32: 0>} : vector<64x1xi32>
    %mul3A_417 = arith.constant 128 : i32
    %mul3A_418 = vector.broadcast %mul3A_417 : i32 to vector<64x1xi32>
    %mul3A_419 = arith.muli %iota3A_416, %mul3A_418 : vector<64x1xi32>
    %iota3A_420 = tpu.iota {dimensions = array<i32: 1>} : vector<64x128xi32>
    %add3A_421 = vector.broadcast %mul3A_419 : vector<64x1xi32> to vector<64x128xi32>
    %add3A_422 = arith.addi %add3A_421, %iota3A_420 : vector<64x128xi32>
    %eq3A_423 = arith.constant 0 : i32
    %eq3A_424 = vector.broadcast %eq3A_423 : i32 to vector<64x128xi32>
    %eq3A_425 = arith.cmpi eq, %add3A_422, %eq3A_424 : vector<64x128xi32>
    %convert_element_type3A_426 = arith.extui %eq3A_425 : vector<64x128xi1> to vector<64x128xi32>
    %convert_element_type3A_427 = arith.sitofp %convert_element_type3A_426 : vector<64x128xi32> to vector<64x128xf32>
    %eq3A_428 = arith.constant 0.000000e+00 : f32
    %eq3A_429 = arith.cmpf oeq, %add3A_415, %eq3A_428 : f32
    %jit3A_430 = arith.constant 1.000000e+00 : f32
    %jit3A_431 = arith.constant 0.000000e+00 : f32
    %select_n3A_432 = arith.select %eq3A_429, %jit3A_430, %jit3A_431 : f32
    %convert_element_type3A_433 = arith.sitofp %get3A_61 : vector<64x128xi32> to vector<64x128xf32>
    %add3A_434 = arith.addf %dot_general3A_282, %dot_general3A_342 : vector<64x128xf32>
    %add3A_435 = arith.addf %add3A_434, %dot_general3A_401 : vector<64x128xf32>
    %mul3A_436 = vector.broadcast %select_n3A_432 : f32 to vector<64x128xf32>
    %mul3A_437 = arith.mulf %mul3A_436, %convert_element_type3A_427 : vector<64x128xf32>
    %add3A_438 = arith.addf %add3A_435, %mul3A_437 : vector<64x128xf32>
    %mul3A_439 = arith.constant 3.592000e+03 : f32
    %mul3A_440 = vector.broadcast %mul3A_439 : f32 to vector<64x128xf32>
    %mul3A_441 = arith.mulf %mul3A_440, %convert_element_type3A_433 : vector<64x128xf32>
    %add3A_442 = arith.addf %add3A_438, %mul3A_441 : vector<64x128xf32>
    %convert_element_type3A_443 = arith.fptosi %add3A_442 : vector<64x128xf32> to vector<64x128xi32>
    %eq3A_444 = arith.constant 0 : i32
    %eq3A_445 = vector.broadcast %eq3A_444 : i32 to vector<64x128xi32>
    %eq3A_446 = arith.cmpi eq, %convert_element_type3A_443, %eq3A_445 : vector<64x128xi32>
    %and3A_447 = arith.constant 1023 : i32
    %and3A_448 = vector.broadcast %and3A_447 : i32 to vector<64x128xi32>
    %and3A_449 = arith.andi %add3A_422, %and3A_448 : vector<64x128xi32>
    %add3A_450 = arith.constant 3600 : i32
    %add3A_451 = vector.broadcast %add3A_450 : i32 to vector<64x128xi32>
    %add3A_452 = arith.addi %add3A_451, %and3A_449 : vector<64x128xi32>
    %select_n3A_453 = arith.select %eq3A_446, %add3A_452, %convert_element_type3A_443 : vector<64x128xi1>, vector<64x128xi32>
    %swap3A = arith.constant 0 : index
    %swap3A_454 = arith.constant 0 : index
    %swap3A_455 = vector.load %arg24[%swap3A, %swap3A_454] : memref<64x128xi32, #tpu.memory_space<vmem>>, vector<64x128xi32>
    tpu.vector_store %arg24[%swap3A, %swap3A_454], %select_n3A_453 {strides = array<i32>} : memref<64x128xi32, #tpu.memory_space<vmem>>, vector<64x128xi32>,
    %broadcast_in_dim3A_456 = arith.constant 0.000000e+00 : f32
    %broadcast_in_dim3A_457 = vector.broadcast %broadcast_in_dim3A_456 : f32 to vector<1x256xf32>
    %swap3A_458 = arith.constant 0 : index
    %swap3A_459 = arith.constant 0 : index
    %swap3A_460 = vector.load %arg23[%swap3A_458, %swap3A_459] : memref<4624x256xf32, #tpu.memory_space<vmem>>, vector<1x256xf32>
    tpu.vector_store %arg23[%swap3A_458, %swap3A_459], %broadcast_in_dim3A_457 {strides = array<i32>} : memref<4624x256xf32, #tpu.memory_space<vmem>>, vector<1x256xf32>,
    %swap3A_461 = arith.constant 1 : index
    %swap3A_462 = arith.constant 0 : index
    %swap3A_463 = vector.load %arg23[%swap3A_461, %swap3A_462] : memref<4624x256xf32, #tpu.memory_space<vmem>>, vector<1x256xf32>
    tpu.vector_store %arg23[%swap3A_461, %swap3A_462], %tanh3A {strides = array<i32>} : memref<4624x256xf32, #tpu.memory_space<vmem>>, vector<1x256xf32>,
    %broadcast_in_dim3A_464 = arith.constant 0.000000e+00 : f32
    %broadcast_in_dim3A_465 = vector.broadcast %broadcast_in_dim3A_464 : f32 to vector<6x256xf32>
    %swap3A_466 = arith.constant 2 : index
    %swap3A_467 = arith.constant 0 : index
    %swap3A_468 = vector.load %arg23[%swap3A_466, %swap3A_467] : memref<4624x256xf32, #tpu.memory_space<vmem>>, vector<6x256xf32>
    tpu.vector_store %arg23[%swap3A_466, %swap3A_467], %broadcast_in_dim3A_465 {strides = array<i32>} : memref<4624x256xf32, #tpu.memory_space<vmem>>, vector<6x256xf32>,
    %get3A_469 = arith.constant 0 : index
    %get3A_470 = arith.constant 0 : index
    %get3A_471 = vector.load %arg11[%get3A_469, %get3A_470] : memref<1536x256xf32, #tpu.memory_space<vmem>>, vector<1536x256xf32>
    %swap3A_472 = arith.constant 8 : index
    %swap3A_473 = arith.constant 0 : index
    %swap3A_474 = vector.load %arg23[%swap3A_472, %swap3A_473] : memref<4624x256xf32, #tpu.memory_space<vmem>>, vector<1536x256xf32>
    tpu.vector_store %arg23[%swap3A_472, %swap3A_473], %get3A_471 {strides = array<i32>} : memref<4624x256xf32, #tpu.memory_space<vmem>>, vector<1536x256xf32>,
    %swap3A_475 = arith.constant 1544 : index
    %swap3A_476 = arith.constant 0 : index
    %swap3A_477 = vector.load %arg23[%swap3A_475, %swap3A_476] : memref<4624x256xf32, #tpu.memory_space<vmem>>, vector<2048x256xf32>
    tpu.vector_store %arg23[%swap3A_475, %swap3A_476], %tanh3A_140 {strides = array<i32>} : memref<4624x256xf32, #tpu.memory_space<vmem>>, vector<2048x256xf32>,
    %swap3A_478 = arith.constant 3592 : index
    %swap3A_479 = arith.constant 0 : index
    %swap3A_480 = vector.load %arg23[%swap3A_478, %swap3A_479] : memref<4624x256xf32, #tpu.memory_space<vmem>>, vector<1x256xf32>
    tpu.vector_store %arg23[%swap3A_478, %swap3A_479], %mul3A_185 {strides = array<i32>} : memref<4624x256xf32, #tpu.memory_space<vmem>>, vector<1x256xf32>,
    %broadcast_in_dim3A_481 = arith.constant 0.000000e+00 : f32
    %broadcast_in_dim3A_482 = vector.broadcast %broadcast_in_dim3A_481 : f32 to vector<1031x256xf32>
    %swap3A_483 = arith.constant 3593 : index
    %swap3A_484 = arith.constant 0 : index
    %swap3A_485 = vector.load %arg23[%swap3A_483, %swap3A_484] : memref<4624x256xf32, #tpu.memory_space<vmem>>, vector<1031x256xf32>
    tpu.vector_store %arg23[%swap3A_483, %swap3A_484], %broadcast_in_dim3A_482 {strides = array<i32>} : memref<4624x256xf32, #tpu.memory_space<vmem>>, vector<1031x256xf32>,
    return
  }
}

</mosaic_0001>

<sc_bundles>
// kernel: kernel.5.cloned.1.call-start
scs
__scs_entry_jumppad:
0x0: {  	(pc) =	sbr.rel $0x88, $3  }
0x1: {  	(tag) =	ssettag $0x0;
	lr =	simm.s32 $0x1  }
0x2: {  	[smem:$0x3F8C] =	sst lr;
	_ =	strace $0xD0000000  }
0x3: {  	_ = 	snop  }
0x4: {  	_ = 	snop  }
0x5: {  	_ = 	snop  }
0x6: {  	_ = 	snop  }
0x7: {  	_ = 	snop  }
__scs_overlays_trampoline_lowered:
0x8: {  	[smem:$0x3F9B] =	sst s0  }
0x9: {  	[smem:$0x3F9C] =	sst s1  }
0xa: {  	[smem:$0x3F9D] =	sst s2  }
0xb: {  	[smem:$0x3F9E] =	sst s3  }
0xc: {  	[smem:$0x3F9F] =	sst s4  }
0xd: {  	[smem:$0x3FA0] =	sst s5  }
0xe: {  	[smem:$0x3FA1] =	sst s6  }
0xf: {  	[smem:$0x3FA2] =	sst s7  }
0x10: {  	[smem:$0x3FA3] =	sst s8  }
0x11: {  	[smem:$0x3FA4] =	sst s9;
	s0 =	simm.s32 @!p0 $0x0  }
0x12: {  	s1 =	sld [smem:$0x3F8A];
	s0 =	simm.s32 @p0 $0x1  }
0x13: {  	[smem:$0x3FA5] =	sst s0;
	s0 =	simm.s32 @!p1 $0x0  }
0x14: {  	s2 =	sld [smem:$0x3F89];
	s0 =	simm.s32 @p1 $0x1  }
0x15: {  	[smem:$0x3FA6] =	sst s0;
	s0 =	simm.s32 @!p2 $0x0  }
0x16: {  	s3 =	sld [smem:$0x3FDB];
	s0 =	simm.s32 @p2 $0x1  }
0x17: {  	s4 =	simm.s32 $0x1BF5;
	[smem:$0x3FA8] =	sst s0  }
0x18: {  	s0 =	sld [smem:$0x3F8B];
	_ =	swait.ge [sflag:s4], $0x0  }
0x19: {  	s7 =	sld [smem:$0x3F8C]  }
0x1a: {  	s8 =	sadd.s32 $0xFFFFE003, lr  }
0x1b: {  	s9 =	sadd.s32 $0xFFFFFEF7, lr;
	s5 =	simm.s32 $0xFFFFFFFF;
	p2 =	slt.u32 s8, $0xFFFFF086  }
0x1c: {  	p1 =	slt.u32 s9, $0xF7A;
	s5 =	simm.s32 @!p2 $0x0  }
0x1d: {  	s5 =	simm.s32 @p1 $0x1;
	p0 =	seq.s32 s7, s2  }
0x1e: {  	s7 =	smul.u32 @!p0 $0xF7A, s2;
	p2 =	seq.s32 @!p0 s5, $0x0  }
0x1f: {  	s9 =	smul.u32 $0xF7A, s1;
	s8 =	simm.s32 @!p0 $0x1BF5;
	p2 =	por !p2, p0  }
0x20: {  	[sflag:s8] =	ssyncset.s32 @!p0 $0xFFFFF086;
	s6 =	sadd.s32 @!p0 s3, s7;
	s7 =	simm.s32 @!p0 $0x108  }
0x21: {  	s3 =	sadd.s32 s3, s9;
	s6 =	sadd.s32 @!p0 $0x88, s6;
	s7 =	simm.s32 @p2 $0x1082  }
0x22: {  	[simem:s7], [sflag:s8] =	dma.local @!p0 [hbm:s6], $0xF7A  }
0x23: {  	s9 =	sor.u32 $0xD0000000, s2;
	s6 =	simm.s32 $0x108;
	_ =	swait.ge @!p0 [sflag:s8], $0x0  }
0x24: {  	s3 =	sadd.s32 $0x88, s3;
	s6 =	simm.s32 @!p1 $0x1082;
	[sflag:s4] =	ssyncset.s32 $0xFFFFF086  }
0x25: {  	[simem:s6], [sflag:s4] =	dma.local [hbm:s3], $0xF7A  }
0x26: {  	[smem:$0x3F8C] =	sst s1;
	(tag) =	ssettag s2;
	_ =	strace s9  }
0x27: {  	s1 =	sld [smem:$0x3F9C]  }
0x28: {  	s2 =	sld [smem:$0x3F9D]  }
0x29: {  	s4 =	sld [smem:$0x3F9F]  }
0x2a: {  	p0 =	seq.s32 s5, $0x0;
	s5 =	sld [smem:$0x3FA0]  }
0x2b: {  	s6 =	sld [smem:$0x3FA1]  }
0x2c: {  	s7 =	sld [smem:$0x3FA2]  }
0x2d: {  	s3 =	simm.s32 $0x108;
	s8 =	sld [smem:$0x3FA3]  }
0x2e: {  	s3 =	simm.s32 @!p0 $0x1082;
	s9 =	sld [smem:$0x3FA4]  }
0x2f: {  	lr =	sadd.s32 s0, s3;
	s0 =	sld [smem:$0x3F9B]  }
0x30: {  	s3 =	sld [smem:$0x3F9E]  }
0x31: {  	[smem:$0x3FA7] =	sst s10  }
0x32: {  	s10 =	sld [smem:$0x3FA5];
	_ =	sdelay $0x3  }
0x33: {  	p0 =	seq.s32 s10, $0x1;
	s10 =	sld [smem:$0x3FA7];
	_ =	sdelay $0x3  }
0x34: {  	[smem:$0x3FA7] =	sst s10  }
0x35: {  	s10 =	sld [smem:$0x3FA6];
	_ =	sdelay $0x3  }
0x36: {  	p1 =	seq.s32 s10, $0x1;
	s10 =	sld [smem:$0x3FA7];
	_ =	sdelay $0x3  }
0x37: {  	[smem:$0x3FA7] =	sst s10  }
0x38: {  	s10 =	sld [smem:$0x3FA8]  }
0x39: {  	_ = 	snop;
	(pc) =	sbr.ind lr, $3  }
0x3a: {  	_ = 	snop  }
0x3b: {  	_ = 	snop  }
0x3c: {  	p2 =	seq.s32 s10, $0x1;
	s10 =	sld [smem:$0x3FA7]  }
0x3d: {  	_ =	shalt  }
0x3e: {  	_ =	shalt  }
0x3f: {  	_ =	shalt  }
0x40: {  	_ =	shalt  }
0x41: {  	_ =	shalt  }
0x42: {  	_ =	shalt  }
0x43: {  	_ =	shalt  }
0x44: {  	_ =	shalt  }
0x45: {  	_ =	shalt  }
0x46: {  	_ =	shalt  }
0x47: {  	_ =	shalt  }
0x48: {  	_ =	shalt  }
0x49: {  	_ =	shalt  }
0x4a: {  	_ =	shalt  }
0x4b: {  	_ =	shalt  }
0x4c: {  	_ =	shalt  }
0x4d: {  	_ =	shalt  }
0x4e: {  	_ =	shalt  }
0x4f: {  	_ =	shalt  }
0x50: {  	_ =	shalt  }
0x51: {  	_ =	shalt  }
0x52: {  	_ =	shalt  }
0x53: {  	_ =	shalt  }
0x54: {  	_ =	shalt  }
0x55: {  	_ =	shalt  }
0x56: {  	_ =	shalt  }
0x57: {  	_ =	shalt  }
0x58: {  	_ =	shalt  }
0x59: {  	_ =	shalt  }
0x5a: {  	_ =	shalt  }
0x5b: {  	_ =	shalt  }
0x5c: {  	_ =	shalt  }
0x5d: {  	_ =	shalt  }
0x5e: {  	_ =	shalt  }
0x5f: {  	_ =	shalt  }
0x60: {  	_ =	shalt  }
0x61: {  	_ =	shalt  }
0x62: {  	_ =	shalt  }
0x63: {  	_ =	shalt  }
0x64: {  	_ =	shalt  }
0x65: {  	_ =	shalt  }
0x66: {  	_ =	shalt  }
0x67: {  	_ =	shalt  }
0x68: {  	_ =	shalt  }
0x69: {  	_ =	shalt  }
0x6a: {  	_ =	shalt  }
0x6b: {  	_ =	shalt  }
0x6c: {  	_ =	shalt  }
0x6d: {  	_ =	shalt  }
0x6e: {  	_ =	shalt  }
0x6f: {  	_ =	shalt  }
0x70: {  	_ =	shalt  }
0x71: {  	_ =	shalt  }
0x72: {  	_ =	shalt  }
0x73: {  	_ =	shalt  }
0x74: {  	_ =	shalt  }
0x75: {  	_ =	shalt  }
0x76: {  	_ =	shalt  }
0x77: {  	_ =	shalt  }
0x78: {  	_ =	shalt  }
0x79: {  	_ =	shalt  }
0x7a: {  	_ =	shalt  }
0x7b: {  	_ =	shalt  }
0x7c: {  	_ =	shalt  }
0x7d: {  	_ =	shalt  }
0x7e: {  	_ =	shalt  }
0x7f: {  	_ =	shalt  }
0x80: {  	_ =	shalt  }
0x81: {  	_ =	shalt  }
0x82: {  	_ =	shalt  }
0x83: {  	_ =	shalt  }
0x84: {  	_ =	shalt  }
0x85: {  	_ =	shalt  }
0x86: {  	_ =	shalt  }
0x87: {  	_ =	shalt  }
.Lfunc_end0:
.L_simem_size_0:
called_computation_lowered:
.L_overlay_start_0:
0x88: {  	s2 =	sld [smem:$0x3FD9]  }
0x89: {  	s3 =	sld [smem:$0x3FFE];
	_ =	sdelay $0x1  }
0x8a: {  	s1 =	srdreg.scid  }
0x8b: {  	s0 =	sand.u32 $0x1, s1  }
0x8c: {  	s17 =	sshll.u32 s0, $0xA;
	s2 =	sadd.s32 s3, s2  }
0x8d: {  	s2 =	sadd.s32 s2, s17  }
0x8e: {  	[smem:$0x3FB3] =	sst s2  }
0x8f: {  	_ = 	snop  }
0x90: {  	s2 =	sld [smem:$0x3FC3]  }
0x91: {  	s18 =	sld [smem:$0x3FBE]  }
0x92: {  	s4 =	sld [smem:$0x3FBD]  }
0x93: {  	s5 =	sld [smem:$0x3FD0];
	(tm) =	ssettm $0x1  }
0x94: {  	s6 =	sld [smem:$0x3FFB];
	_ =	sdelay $0x3  }
0x95: {  	_ =	strace s6  }
0x96: {  	s6 =	sld [smem:$0x3FFC];
	_ =	sdelay $0x3  }
0x97: {  	_ =	strace s6  }
0x98: {  	s6 =	sld [smem:$0x3FFD];
	_ =	sdelay $0x3  }
0x99: {  	_ =	strace s6  }
0x9a: {  	_ =	strace $0x8FFFFFFF  }
0x9b: {  	s19 =	sld [smem:$0x3FDB];
	_ =	sdelay $0x1  }
0x9c: {  	s7 =	simm.s32 $_scs_section_size  }
0x9d: {  	s8 =	simm.s32 $_size__tile_overlayer_lowered;
	s9 =	simm.s32 $_tile_overlayer_lowered  }
0x9e: {  	s22 =	simm.s32 $0x1BFF;
	s21 =	sshll.u32 s9, $0x1;
	s6 =	sadd.s32 s7, s19  }
0x9f: {  	s10 =	simm.s32 $0x0;
	s20 =	sshll.u32 s8, $0x1;
	s8 =	sadd.s32 s21, s6  }
0xa0: {  	[timem:s10], [sflag:s22] =	dma.local [hbm:s8], s20  }
0xa1: {  	_ =	swait.ge [sflag:s22], s20  }
0xa2: {  	s7 =	ssub.s32 $0x0, s20;
	[sflag:s22] =	ssyncset.done $0x0  }
0xa3: {  	[sflag:s22] =	ssyncadd.s32 s7;
	_ =	sdelay $0x1  }
0xa4: {  	s23 =	simm.s32 $0x1B8B  }
0xa5: {  	_ =	swait.ge [sflag:s23], $0x1  }
0xa6: {  	[sflag:s23] =	ssyncset.done $0x0  }
0xa7: {  	s25 =	simm.s32 $0x1B8E;
	s24 =	sld [smem:$0x3FFE];
	[sflag:s23] =	ssyncadd.s32 $0xFFFFFFFF  }
0xa8: {  	s26 =	simm.s32 $execute0_lowered;
	[smem:$0x3FD2] =	sst s25  }
0xa9: {  	s8 =	sshll.u32 s26, $0x1;
	_ =	strace $0x80000046;
	[dreg:$0x1] =	wrdreg $0xFFFFFFFF  }
0xaa: {  	s28 =	simm.s32 $_size_execute0_lowered;
	s6 =	sadd.s32 s6, s8;
	[dreg:$0x0] =	wrdreg $0x0  }
0xab: {  	s8 =	sshll.u32 s28, $0x1;
	[dreg:$0x2] =	wrdreg s6  }
0xac: {  	[dreg:$0x3] =	wrdreg s8  }
0xad: {  	[dreg:$0x4] =	wrdreg $0xC0  }
0xae: {  	_ =	task [dreg:s10], $0x5FFFF  }
0xaf: {  	[dreg:$0x1] =	wrdreg $0xFFFFFFFF  }
0xb0: {  	[dreg:$0x0] =	wrdreg $0x60  }
0xb1: {  	[dreg:$0x2] =	wrdreg s4  }
0xb2: {  	[dreg:$0x3] =	wrdreg s2  }
0xb3: {  	[dreg:$0x4] =	wrdreg s18  }
0xb4: {  	[dreg:$0x5] =	wrdreg s24  }
0xb5: {  	[dreg:$0x6] =	wrdreg s5  }
0xb6: {  	[dreg:$0x7] =	wrdreg $0x9  }
0xb7: {  	_ =	task.clear_ibuf [dreg:s10], $0x8FFFF;
	_ =	strace $0x90000046  }
0xb8: {  	s29 =	simm.s32 $0x9;
	_ =	strace $0x80000048  }
0xb9: {  	_ =	swait.ge [sflag:s29], $0x1  }
0xba: {  	[sflag:s29] =	ssyncadd.s32 $0xFFFFFFFF  }
0xbb: {  	_ =	strace $0x90000048  }
0xbc: {  	_ =	sfence  }
0xbd: {  	s30 =	sld [smem:$0x0];
	_ =	sdelay $0x2  }
0xbe: {  	s31 =	sshll.u32 s1, $0xD;
	s1 =	sshrl.u32 s1, $0x2  }
0xbf: {  	s3 =	sand.u32 $0x4000, s31;
	s1 =	sadd.s32 s1, s30  }
0xc0: {  	s0 =	sor.u32 s3, s0;
	s1 =	sshll.u32 s1, $0x11  }
0xc1: {  	s0 =	sor.u32 s1, s0  }
0xc2: {  	s0 =	sadd.s32 $0x8F2B, s0  }
0xc3: {  	[sflag:s0] =	ssyncadd.remote.s32 $0x1  }
0xc4: {  	_ =	sfence.sel $0xFFFF  }
0xc5: {  	[dreg:$0x0] =	wrdreg $0xFFFFFFFF;
	(pc) =	sbr.abs _section_cstart, $3  }
0xc6: {  	[dreg:$0x1] =	wrdreg $0xFFFFFFFF  }
0xc7: {  	_ =	task.clear_ibuf [dreg:s10], $0x2FFFF;
	_ =	strace $0x9FFFFFFF  }
0xc8: {  	(tm) =	ssettm $0x7FFFFFFF  }
0xc9: {  	_ =	shalt  }
tec
execute0_lowered:
.L_overlay_start_1:
0x0: {  	(tag) =	ssettag $0x1  }
0x1: {  	s1 =	rddreg [dreg:$0x0]  }
0x2: {  	s5 =	rddreg [dreg:$0x1]  }
0x3: {  	s2 =	rddreg [dreg:$0x2]  }
0x4: {  	s3 =	srdreg.scid;
	s6 =	rddreg [dreg:$0x3]  }
0x5: {  	s0 =	stileid.u32;
	s8 =	rddreg [dreg:$0x4]  }
0x6: {  	s4 =	simm.s32 $0x0;
	s13 =	simm.s32 $0x1080;
	s14 =	simm.s32 $0x1880  }
0x7: {  	s15 =	simm.s32 $0x2080;
	s16 =	simm.s32 $0x2880;
	s17 =	simm.s32 $0x3080  }
0x8: {  	s18 =	simm.s32 $0x3880;
	s19 =	simm.s32 $0x4080;
	s20 =	simm.s32 $0x4100  }
0x9: {  	s21 =	simm.s32 $0x4900;
	s22 =	simm.s32 $0x5100;
	s23 =	simm.s32 $0x5900  }
0xa: {  	s24 =	simm.s32 $0x6100;
	s25 =	simm.s32 $0x6900;
	s26 =	simm.s32 $0x1  }
0xb: {  	s7 =	sand.u32 $0x1, s3;
	s29 =	sshll.u32 s0, $0x1;
	s3 =	rddreg [dreg:$0x5]  }
0xc: {  	s28 =	simm.s32 $0x2;
	[smem:$0x7FF] =	sst s4;
	s9 =	sor.u32 s7, s29  }
0xd: {  	s7 =	ssub.s32 $0x2, s7;
	_ =	strace $0x80000047;
	s10 =	smul.u32 $0x6, s9  }
0xe: {  	s11 =	smul.u32 $0x600, s9;
	s12 =	sshrl.u32 s7, $0x1;
	s30 =	sshll.u32 s9, $0x3  }
0xf: {  	s31 =	sshll.u32 s9, $0xB;
	s12 =	ssub.s32 s7, s12;
	s5 =	sadd.s32 s5, s30  }
0x10: {  	v2 =	vlaneseq.u32;
	s7 =	sadd.s32 s8, s31;
	s10 =	sadd.s32 s10, s6;
	s11 =	sadd.s32 s11, s6  }
0x11: {  	vm0 =	vmmov $0xffff;
	v1 =	vshrl.u32 v2, $0x3;
	s9 =	smax.u32 s12, $0x1;
	s12 =	simm.s32 $0x880;
	s6 =	sadd.s32 $0x3600, s10  }
0x12: {  	v0 =	vand.u32 $0x7, v2;
	v2 =	vor.u32 $0x8, v2;
	v1 =	vmul.u32 $0x8, v1;
	s8 =	sadd.s32 $0x3800, s11;
	s10 =	simm.s32 $0x3;
	s11 =	simm.s32 $0x80  }
.LBB2_1:
0x13: {  	[tilespmem:s4], [sflag:$0x3] =	stream.linear.gather [hbm4b:s5+s4], $0x40, $0x38;
	[tilespmem:$0x7100] =	vst v63  }
0x14: {  	_ =	swait.ge [sflag:s10], $0x40  }
0x15: {  	[sflag:s10] =	ssyncset.done $0x0  }
0x16: {  	[sflag:s10] =	ssyncadd.s32 $0xFFFFFFC0  }
0x17: {  	v3 =	vld [tilespmem:$0x0];
	_ =	sdelay $0x4  }
0x18: {  	v4 =	vshll.u32 v3, $0x1  }
0x19: {  	v3 =	vand.u32 $0x7, v3;
	v4 =	vand.u32 $0xFFFFFFF0, v4  }
0x1a: {  	v3 =	vor.u32 v3, v4  }
0x1b: {  	v4 =	vperm.xlane v3, v0;
	_ =	sdelay $0x1  }
0x1c: {  	v3 =	vperm.xlane v3, v2;
	v4 =	vadd.s32 v1, v4;
	_ =	sdelay $0x1  }
0x1d: {  	v3 =	vadd.s32 v1, v3;
	_ =	sdelay $0x2  }
0x1e: {  	[tilespmem:s11], [sflag:$0x1] =	stream.indirect_vreg.gather [hbm4b:s1+s4], $0x80, v4, vm0, $0xb8;
	[tilespmem:$0x7100] =	vst v63  }
0x1f: {  	_ = 	snop  }
0x20: {  	[tilespmem:s12], [sflag:$0x1] =	stream.indirect_vreg.gather [hbm4b:s1+s4], $0x80, v3, vm0, $0xb8;
	[tilespmem:$0x7100] =	vst v63  }
0x21: {  	v3 =	vld [tilespmem:$0x10];
	_ =	sdelay $0x4  }
0x22: {  	v58 =	vshll.u32 v3, $0x1  }
0x23: {  	v3 =	vand.u32 $0x7, v3;
	v4 =	vand.u32 $0xFFFFFFF0, v58  }
0x24: {  	v3 =	vor.u32 v3, v4  }
0x25: {  	v4 =	vperm.xlane v3, v0;
	_ =	sdelay $0x1  }
0x26: {  	v3 =	vperm.xlane v3, v2;
	v4 =	vadd.s32 v1, v4;
	_ =	sdelay $0x1  }
0x27: {  	v3 =	vadd.s32 v1, v3;
	_ =	sdelay $0x2  }
0x28: {  	[tilespmem:s13], [sflag:$0x1] =	stream.indirect_vreg.gather [hbm4b:s1+s4], $0x80, v4, vm0, $0xb8;
	[tilespmem:$0x7100] =	vst v63  }
0x29: {  	_ = 	snop  }
0x2a: {  	[tilespmem:s14], [sflag:$0x1] =	stream.indirect_vreg.gather [hbm4b:s1+s4], $0x80, v3, vm0, $0xb8;
	[tilespmem:$0x7100] =	vst v63  }
0x2b: {  	v3 =	vld [tilespmem:$0x20];
	_ =	sdelay $0x4  }
0x2c: {  	v59 =	vshll.u32 v3, $0x1  }
0x2d: {  	v3 =	vand.u32 $0x7, v3;
	v4 =	vand.u32 $0xFFFFFFF0, v59  }
0x2e: {  	v3 =	vor.u32 v3, v4  }
0x2f: {  	v4 =	vperm.xlane v3, v0;
	_ =	sdelay $0x1  }
0x30: {  	v3 =	vperm.xlane v3, v2;
	v4 =	vadd.s32 v1, v4;
	_ =	sdelay $0x1  }
0x31: {  	v3 =	vadd.s32 v1, v3;
	_ =	sdelay $0x2  }
0x32: {  	[tilespmem:s15], [sflag:$0x1] =	stream.indirect_vreg.gather [hbm4b:s1+s4], $0x80, v4, vm0, $0xb8;
	[tilespmem:$0x7100] =	vst v63  }
0x33: {  	_ = 	snop  }
0x34: {  	[tilespmem:s16], [sflag:$0x1] =	stream.indirect_vreg.gather [hbm4b:s1+s4], $0x80, v3, vm0, $0xb8;
	[tilespmem:$0x7100] =	vst v63  }
0x35: {  	v3 =	vld [tilespmem:$0x30];
	_ =	sdelay $0x4  }
0x36: {  	v60 =	vshll.u32 v3, $0x1  }
0x37: {  	v3 =	vand.u32 $0x7, v3;
	v4 =	vand.u32 $0xFFFFFFF0, v60  }
0x38: {  	v3 =	vor.u32 v3, v4  }
0x39: {  	v4 =	vperm.xlane v3, v0;
	_ =	sdelay $0x1  }
0x3a: {  	v3 =	vperm.xlane v3, v2;
	v4 =	vadd.s32 v1, v4;
	_ =	sdelay $0x1  }
0x3b: {  	v3 =	vadd.s32 v1, v3;
	_ =	sdelay $0x2  }
0x3c: {  	[tilespmem:s17], [sflag:$0x1] =	stream.indirect_vreg.gather [hbm4b:s1+s4], $0x80, v4, vm0, $0xb8;
	[tilespmem:$0x7100] =	vst v63  }
0x3d: {  	_ = 	snop  }
0x3e: {  	[tilespmem:s18], [sflag:$0x1] =	stream.indirect_vreg.gather [hbm4b:s1+s4], $0x80, v3, vm0, $0xb8;
	[tilespmem:$0x7100] =	vst v63  }
0x3f: {  	_ = 	snop  }
0x40: {  	[tilespmem:s19], [sflag:$0x3] =	stream.linear.gather [hbm4b:s6+s4], $0x30, $0x38;
	[tilespmem:$0x7100] =	vst v63  }
0x41: {  	_ =	swait.ge [sflag:s10], $0x30  }
0x42: {  	[sflag:s10] =	ssyncset.done $0x0  }
0x43: {  	[sflag:s10] =	ssyncadd.s32 $0xFFFFFFD0  }
0x44: {  	v3 =	vld [tilespmem:$0x4080];
	_ =	sdelay $0x4  }
0x45: {  	v61 =	vshll.u32 v3, $0x1  }
0x46: {  	v3 =	vand.u32 $0x7, v3;
	v4 =	vand.u32 $0xFFFFFFF0, v61  }
0x47: {  	v3 =	vor.u32 v3, v4  }
0x48: {  	v4 =	vperm.xlane v3, v0;
	_ =	sdelay $0x1  }
0x49: {  	v3 =	vperm.xlane v3, v2;
	v4 =	vadd.s32 v1, v4;
	_ =	sdelay $0x1  }
0x4a: {  	v3 =	vadd.s32 v1, v3;
	_ =	sdelay $0x2  }
0x4b: {  	[tilespmem:s20], [sflag:$0x2] =	stream.indirect_vreg.gather [hbm4b:s2+s4], $0x80, v4, vm0, $0xb8;
	[tilespmem:$0x7100] =	vst v63  }
0x4c: {  	_ = 	snop  }
0x4d: {  	[tilespmem:s21], [sflag:$0x2] =	stream.indirect_vreg.gather [hbm4b:s2+s4], $0x80, v3, vm0, $0xb8;
	[tilespmem:$0x7100] =	vst v63  }
0x4e: {  	v3 =	vld [tilespmem:$0x4090];
	_ =	sdelay $0x4  }
0x4f: {  	v62 =	vshll.u32 v3, $0x1  }
0x50: {  	v3 =	vand.u32 $0x7, v3;
	v4 =	vand.u32 $0xFFFFFFF0, v62  }
0x51: {  	v3 =	vor.u32 v3, v4  }
0x52: {  	v4 =	vperm.xlane v3, v0;
	_ =	sdelay $0x1  }
0x53: {  	v3 =	vperm.xlane v3, v2;
	v4 =	vadd.s32 v1, v4;
	_ =	sdelay $0x1  }
0x54: {  	v3 =	vadd.s32 v1, v3;
	_ =	sdelay $0x2  }
0x55: {  	[tilespmem:s22], [sflag:$0x2] =	stream.indirect_vreg.gather [hbm4b:s2+s4], $0x80, v4, vm0, $0xb8;
	[tilespmem:$0x7100] =	vst v63  }
0x56: {  	_ = 	snop  }
0x57: {  	[tilespmem:s23], [sflag:$0x2] =	stream.indirect_vreg.gather [hbm4b:s2+s4], $0x80, v3, vm0, $0xb8;
	[tilespmem:$0x7100] =	vst v63  }
0x58: {  	v3 =	vld [tilespmem:$0x40A0];
	_ =	sdelay $0x4  }
0x59: {  	v63 =	vshll.u32 v3, $0x1  }
0x5a: {  	v3 =	vand.u32 $0x7, v3;
	v4 =	vand.u32 $0xFFFFFFF0, v63  }
0x5b: {  	v3 =	vor.u32 v3, v4  }
0x5c: {  	v4 =	vperm.xlane v3, v0;
	_ =	sdelay $0x1  }
0x5d: {  	v3 =	vperm.xlane v3, v2;
	v4 =	vadd.s32 v1, v4;
	_ =	sdelay $0x1  }
0x5e: {  	v3 =	vadd.s32 v1, v3;
	_ =	sdelay $0x2  }
0x5f: {  	[tilespmem:s24], [sflag:$0x2] =	stream.indirect_vreg.gather [hbm4b:s2+s4], $0x80, v4, vm0, $0xb8;
	[tilespmem:$0x7100] =	vst v63  }
0x60: {  	_ = 	snop  }
0x61: {  	[tilespmem:s25], [sflag:$0x2] =	stream.indirect_vreg.gather [hbm4b:s2+s4], $0x80, v3, vm0, $0xb8;
	[tilespmem:$0x7100] =	vst v63  }
0x62: {  	_ =	swait.ge [sflag:s26], $0x4000  }
0x63: {  	[sflag:s26] =	ssyncset.done $0x0  }
0x64: {  	[sflag:s26] =	ssyncadd.s32 $0xFFFFC000  }
0x65: {  	[hbm4b:s7+s4] =	stream.linear.scatter [tilespmem:s11], [sflag:$0x3], $0x4000, $0x38;
	[tilespmem:$0x7100] =	vst v63  }
0x66: {  	_ =	swait.ge [sflag:s10], $0x4000  }
0x67: {  	[sflag:s10] =	ssyncset.done $0x0  }
0x68: {  	[sflag:s10] =	ssyncadd.s32 $0xFFFFC000  }
0x69: {  	_ =	swait.ge [sflag:s28], $0x3000  }
0x6a: {  	p0 =	sne.s32 s9, $0x1;
	[sflag:s28] =	ssyncset.done $0x0  }
.Ltmp0:
0x6b: {  	[sflag:s28] =	ssyncadd.s32 $0xFFFFD000;
	(pc) =	sbr.rel @p0 .LBB2_1-.Ltmp0, $4  }
0x6c: {  	[hbm4b:s8+s4] =	stream.linear.scatter [tilespmem:s20], [sflag:$0x3], $0x3000, $0x38;
	[tilespmem:$0x7100] =	vst v63  }
0x6d: {  	_ =	swait.ge [sflag:s10], $0x3000  }
0x6e: {  	[sflag:s10] =	ssyncset.done $0x0  }
0x6f: {  	s9 =	sadd.s32 $0xFFFFFFFF, s9;
	[sflag:s10] =	ssyncadd.s32 $0xFFFFD000  }
0x70: {  	_ =	sfence.sel $0x180000  }
0x71: {  	[bflag:$0x0] =	sbarrier.arrive $0xFFFF  }
0x72: {  	p0 =	sne.s32 s0, $0x0;
	_ =	strace $0x90000047  }
0x73: {  	s0 =	sadd.s32 @!p0 $0x100000, s3;
	[bflag:$0x2] =	sbarrier.arrive $0xFFFF  }
0x74: {  	[sflag:s0] =	ssyncadd.tile.s32 @!p0 $0x1;
	_ =	shalt  }
.Lfunc_end2:
_tile_overlayer_lowered:
.L_overlay_start_2:
0x75: {  	(tag) =	ssettag $0x2  }
0x76: {  	s0 =	rddreg [dreg:$0x0];
	s2 =	stileid.u32  }
0x77: {  	s1 =	rddreg [dreg:$0x1];
	p0 =	sne.s32 s2, $0x0  }
0x78: {  	s3 =	rddreg [dreg:$0x2];
	[bflag:$0x3] =	sbarrier.arrive $0xFFFF;
	s2 =	simm.s32 @!p0 $0x1C03  }
0x79: {  	[timem:s3], [sflag:s2] =	dma.local @!p0 [hbm:s0], s1  }
0x7a: {  	s0 =	simm.s32 @!p0 $0x3  }
0x7b: {  	_ =	swait.ge @!p0 [sflag:s0], s1  }
0x7c: {  	s1 =	ssub.s32 @!p0 $0x0, s1;
	[sflag:s0] =	ssyncset.done @!p0 $0x0  }
0x7d: {  	[sflag:s0] =	ssyncadd.s32 @!p0 s1  }
0x7e: {  	[bflag:$0x3] =	sbarrier.arrive $0xFFFF  }
0x7f: {  	_ =	shalt  }

// kernel: kernel.8.cloned.1.call-start
scs
__scs_entry_jumppad:
0x0: {  	(pc) =	sbr.rel $0x88, $3  }
0x1: {  	(tag) =	ssettag $0x0;
	lr =	simm.s32 $0x1  }
0x2: {  	[smem:$0x3F8C] =	sst lr;
	_ =	strace $0xD0000000  }
0x3: {  	_ = 	snop  }
0x4: {  	_ = 	snop  }
0x5: {  	_ = 	snop  }
0x6: {  	_ = 	snop  }
0x7: {  	_ = 	snop  }
__scs_overlays_trampoline_lowered:
0x8: {  	[smem:$0x3F9B] =	sst s0  }
0x9: {  	[smem:$0x3F9C] =	sst s1  }
0xa: {  	[smem:$0x3F9D] =	sst s2  }
0xb: {  	[smem:$0x3F9E] =	sst s3  }
0xc: {  	[smem:$0x3F9F] =	sst s4  }
0xd: {  	[smem:$0x3FA0] =	sst s5  }
0xe: {  	[smem:$0x3FA1] =	sst s6  }
0xf: {  	[smem:$0x3FA2] =	sst s7  }
0x10: {  	[smem:$0x3FA3] =	sst s8  }
0x11: {  	[smem:$0x3FA4] =	sst s9;
	s0 =	simm.s32 @!p0 $0x0  }
0x12: {  	s1 =	sld [smem:$0x3F8A];
	s0 =	simm.s32 @p0 $0x1  }
0x13: {  	[smem:$0x3FA5] =	sst s0;
	s0 =	simm.s32 @!p1 $0x0  }
0x14: {  	s2 =	sld [smem:$0x3F89];
	s0 =	simm.s32 @p1 $0x1  }
0x15: {  	[smem:$0x3FA6] =	sst s0;
	s0 =	simm.s32 @!p2 $0x0  }
0x16: {  	s3 =	sld [smem:$0x3FDB];
	s0 =	simm.s32 @p2 $0x1  }
0x17: {  	s4 =	simm.s32 $0x1BF5;
	[smem:$0x3FA8] =	sst s0  }
0x18: {  	s0 =	sld [smem:$0x3F8B];
	_ =	swait.ge [sflag:s4], $0x0  }
0x19: {  	s7 =	sld [smem:$0x3F8C]  }
0x1a: {  	s8 =	sadd.s32 $0xFFFFE003, lr  }
0x1b: {  	s9 =	sadd.s32 $0xFFFFFEF7, lr;
	s5 =	simm.s32 $0xFFFFFFFF;
	p2 =	slt.u32 s8, $0xFFFFF086  }
0x1c: {  	p1 =	slt.u32 s9, $0xF7A;
	s5 =	simm.s32 @!p2 $0x0  }
0x1d: {  	s5 =	simm.s32 @p1 $0x1;
	p0 =	seq.s32 s7, s2  }
0x1e: {  	s7 =	smul.u32 @!p0 $0xF7A, s2;
	p2 =	seq.s32 @!p0 s5, $0x0  }
0x1f: {  	s9 =	smul.u32 $0xF7A, s1;
	s8 =	simm.s32 @!p0 $0x1BF5;
	p2 =	por !p2, p0  }
0x20: {  	[sflag:s8] =	ssyncset.s32 @!p0 $0xFFFFF086;
	s6 =	sadd.s32 @!p0 s3, s7;
	s7 =	simm.s32 @!p0 $0x108  }
0x21: {  	s3 =	sadd.s32 s3, s9;
	s6 =	sadd.s32 @!p0 $0x88, s6;
	s7 =	simm.s32 @p2 $0x1082  }
0x22: {  	[simem:s7], [sflag:s8] =	dma.local @!p0 [hbm:s6], $0xF7A  }
0x23: {  	s9 =	sor.u32 $0xD0000000, s2;
	s6 =	simm.s32 $0x108;
	_ =	swait.ge @!p0 [sflag:s8], $0x0  }
0x24: {  	s3 =	sadd.s32 $0x88, s3;
	s6 =	simm.s32 @!p1 $0x1082;
	[sflag:s4] =	ssyncset.s32 $0xFFFFF086  }
0x25: {  	[simem:s6], [sflag:s4] =	dma.local [hbm:s3], $0xF7A  }
0x26: {  	[smem:$0x3F8C] =	sst s1;
	(tag) =	ssettag s2;
	_ =	strace s9  }
0x27: {  	s1 =	sld [smem:$0x3F9C]  }
0x28: {  	s2 =	sld [smem:$0x3F9D]  }
0x29: {  	s4 =	sld [smem:$0x3F9F]  }
0x2a: {  	p0 =	seq.s32 s5, $0x0;
	s5 =	sld [smem:$0x3FA0]  }
0x2b: {  	s6 =	sld [smem:$0x3FA1]  }
0x2c: {  	s7 =	sld [smem:$0x3FA2]  }
0x2d: {  	s3 =	simm.s32 $0x108;
	s8 =	sld [smem:$0x3FA3]  }
0x2e: {  	s3 =	simm.s32 @!p0 $0x1082;
	s9 =	sld [smem:$0x3FA4]  }
0x2f: {  	lr =	sadd.s32 s0, s3;
	s0 =	sld [smem:$0x3F9B]  }
0x30: {  	s3 =	sld [smem:$0x3F9E]  }
0x31: {  	[smem:$0x3FA7] =	sst s10  }
0x32: {  	s10 =	sld [smem:$0x3FA5];
	_ =	sdelay $0x3  }
0x33: {  	p0 =	seq.s32 s10, $0x1;
	s10 =	sld [smem:$0x3FA7];
	_ =	sdelay $0x3  }
0x34: {  	[smem:$0x3FA7] =	sst s10  }
0x35: {  	s10 =	sld [smem:$0x3FA6];
	_ =	sdelay $0x3  }
0x36: {  	p1 =	seq.s32 s10, $0x1;
	s10 =	sld [smem:$0x3FA7];
	_ =	sdelay $0x3  }
0x37: {  	[smem:$0x3FA7] =	sst s10  }
0x38: {  	s10 =	sld [smem:$0x3FA8]  }
0x39: {  	_ = 	snop;
	(pc) =	sbr.ind lr, $3  }
0x3a: {  	_ = 	snop  }
0x3b: {  	_ = 	snop  }
0x3c: {  	p2 =	seq.s32 s10, $0x1;
	s10 =	sld [smem:$0x3FA7]  }
0x3d: {  	_ =	shalt  }
0x3e: {  	_ =	shalt  }
0x3f: {  	_ =	shalt  }
0x40: {  	_ =	shalt  }
0x41: {  	_ =	shalt  }
0x42: {  	_ =	shalt  }
0x43: {  	_ =	shalt  }
0x44: {  	_ =	shalt  }
0x45: {  	_ =	shalt  }
0x46: {  	_ =	shalt  }
0x47: {  	_ =	shalt  }
0x48: {  	_ =	shalt  }
0x49: {  	_ =	shalt  }
0x4a: {  	_ =	shalt  }
0x4b: {  	_ =	shalt  }
0x4c: {  	_ =	shalt  }
0x4d: {  	_ =	shalt  }
0x4e: {  	_ =	shalt  }
0x4f: {  	_ =	shalt  }
0x50: {  	_ =	shalt  }
0x51: {  	_ =	shalt  }
0x52: {  	_ =	shalt  }
0x53: {  	_ =	shalt  }
0x54: {  	_ =	shalt  }
0x55: {  	_ =	shalt  }
0x56: {  	_ =	shalt  }
0x57: {  	_ =	shalt  }
0x58: {  	_ =	shalt  }
0x59: {  	_ =	shalt  }
0x5a: {  	_ =	shalt  }
0x5b: {  	_ =	shalt  }
0x5c: {  	_ =	shalt  }
0x5d: {  	_ =	shalt  }
0x5e: {  	_ =	shalt  }
0x5f: {  	_ =	shalt  }
0x60: {  	_ =	shalt  }
0x61: {  	_ =	shalt  }
0x62: {  	_ =	shalt  }
0x63: {  	_ =	shalt  }
0x64: {  	_ =	shalt  }
0x65: {  	_ =	shalt  }
0x66: {  	_ =	shalt  }
0x67: {  	_ =	shalt  }
0x68: {  	_ =	shalt  }
0x69: {  	_ =	shalt  }
0x6a: {  	_ =	shalt  }
0x6b: {  	_ =	shalt  }
0x6c: {  	_ =	shalt  }
0x6d: {  	_ =	shalt  }
0x6e: {  	_ =	shalt  }
0x6f: {  	_ =	shalt  }
0x70: {  	_ =	shalt  }
0x71: {  	_ =	shalt  }
0x72: {  	_ =	shalt  }
0x73: {  	_ =	shalt  }
0x74: {  	_ =	shalt  }
0x75: {  	_ =	shalt  }
0x76: {  	_ =	shalt  }
0x77: {  	_ =	shalt  }
0x78: {  	_ =	shalt  }
0x79: {  	_ =	shalt  }
0x7a: {  	_ =	shalt  }
0x7b: {  	_ =	shalt  }
0x7c: {  	_ =	shalt  }
0x7d: {  	_ =	shalt  }
0x7e: {  	_ =	shalt  }
0x7f: {  	_ =	shalt  }
0x80: {  	_ =	shalt  }
0x81: {  	_ =	shalt  }
0x82: {  	_ =	shalt  }
0x83: {  	_ =	shalt  }
0x84: {  	_ =	shalt  }
0x85: {  	_ =	shalt  }
0x86: {  	_ =	shalt  }
0x87: {  	_ =	shalt  }
.Lfunc_end0:
.L_simem_size_0:
called_computation.1_lowered:
.L_overlay_start_0:
0x88: {  	s2 =	sld [smem:$0x3FD9]  }
0x89: {  	s3 =	sld [smem:$0x3FFE];
	_ =	sdelay $0x1  }
0x8a: {  	s1 =	srdreg.scid  }
0x8b: {  	s0 =	sand.u32 $0x1, s1  }
0x8c: {  	s17 =	sshll.u32 s0, $0xA;
	s2 =	sadd.s32 s3, s2  }
0x8d: {  	s2 =	sadd.s32 s2, s17  }
0x8e: {  	[smem:$0x3FB3] =	sst s2  }
0x8f: {  	_ = 	snop  }
0x90: {  	s2 =	sld [smem:$0x3FD0];
	(tm) =	ssettm $0x1  }
0x91: {  	s18 =	sld [smem:$0x3FFB];
	_ =	sdelay $0x3  }
0x92: {  	_ =	strace s18  }
0x93: {  	s3 =	sld [smem:$0x3FFC];
	_ =	sdelay $0x3  }
0x94: {  	_ =	strace s3  }
0x95: {  	s3 =	sld [smem:$0x3FFD];
	_ =	sdelay $0x3  }
0x96: {  	_ =	strace s3  }
0x97: {  	_ =	strace $0x8FFFFFFF  }
0x98: {  	s19 =	sld [smem:$0x3FDB];
	_ =	sdelay $0x1  }
0x99: {  	s4 =	simm.s32 $_scs_section_size  }
0x9a: {  	s5 =	simm.s32 $_size__tile_overlayer_lowered;
	s6 =	simm.s32 $_tile_overlayer_lowered  }
0x9b: {  	s22 =	simm.s32 $0x1BFF;
	s21 =	sshll.u32 s6, $0x1;
	s3 =	sadd.s32 s4, s19  }
0x9c: {  	s7 =	simm.s32 $0x0;
	s20 =	sshll.u32 s5, $0x1;
	s5 =	sadd.s32 s21, s3  }
0x9d: {  	[timem:s7], [sflag:s22] =	dma.local [hbm:s5], s20  }
0x9e: {  	_ =	swait.ge [sflag:s22], s20  }
0x9f: {  	s4 =	ssub.s32 $0x0, s20;
	[sflag:s22] =	ssyncset.done $0x0  }
0xa0: {  	[sflag:s22] =	ssyncadd.s32 s4;
	_ =	sdelay $0x1  }
0xa1: {  	s23 =	simm.s32 $0x1B8B  }
0xa2: {  	_ =	swait.ge [sflag:s23], $0x1  }
0xa3: {  	[sflag:s23] =	ssyncset.done $0x0  }
0xa4: {  	s25 =	simm.s32 $0x1B8E;
	s24 =	sld [smem:$0x3FFE];
	[sflag:s23] =	ssyncadd.s32 $0xFFFFFFFF  }
0xa5: {  	s26 =	simm.s32 $execute0_lowered;
	[smem:$0x3FD2] =	sst s25  }
0xa6: {  	s5 =	sshll.u32 s26, $0x1;
	_ =	strace $0x80000049;
	[dreg:$0x1] =	wrdreg $0xFFFFFFFF  }
0xa7: {  	s28 =	simm.s32 $_size_execute0_lowered;
	s3 =	sadd.s32 s3, s5;
	[dreg:$0x0] =	wrdreg $0x0  }
0xa8: {  	s5 =	sshll.u32 s28, $0x1;
	[dreg:$0x2] =	wrdreg s3  }
0xa9: {  	[dreg:$0x3] =	wrdreg s5  }
0xaa: {  	[dreg:$0x4] =	wrdreg $0xC0  }
0xab: {  	_ =	task [dreg:s7], $0x5FFFF  }
0xac: {  	[dreg:$0x1] =	wrdreg $0xFFFFFFFF  }
0xad: {  	[dreg:$0x0] =	wrdreg $0x60  }
0xae: {  	[dreg:$0x2] =	wrdreg s24  }
0xaf: {  	[dreg:$0x3] =	wrdreg s2  }
0xb0: {  	[dreg:$0x4] =	wrdreg $0x9  }
0xb1: {  	_ =	task.clear_ibuf [dreg:s7], $0x5FFFF;
	_ =	strace $0x90000049  }
0xb2: {  	s29 =	simm.s32 $0x9;
	_ =	strace $0x8000004B  }
0xb3: {  	_ =	swait.ge [sflag:s29], $0x1  }
0xb4: {  	[sflag:s29] =	ssyncadd.s32 $0xFFFFFFFF  }
0xb5: {  	_ =	strace $0x9000004B  }
0xb6: {  	_ =	sfence  }
0xb7: {  	s30 =	sld [smem:$0x0];
	_ =	sdelay $0x2  }
0xb8: {  	s31 =	sshll.u32 s1, $0xD;
	s1 =	sshrl.u32 s1, $0x2  }
0xb9: {  	s3 =	sand.u32 $0x4000, s31;
	s1 =	sadd.s32 s1, s30  }
0xba: {  	s0 =	sor.u32 s3, s0;
	s1 =	sshll.u32 s1, $0x11  }
0xbb: {  	s0 =	sor.u32 s1, s0  }
0xbc: {  	s0 =	sadd.s32 $0x8F2B, s0  }
0xbd: {  	[sflag:s0] =	ssyncadd.remote.s32 $0x1  }
0xbe: {  	_ =	sfence.sel $0xFFFF  }
0xbf: {  	[dreg:$0x0] =	wrdreg $0xFFFFFFFF;
	(pc) =	sbr.abs _section_cstart, $3  }
0xc0: {  	[dreg:$0x1] =	wrdreg $0xFFFFFFFF  }
0xc1: {  	_ =	task.clear_ibuf [dreg:s7], $0x2FFFF;
	_ =	strace $0x9FFFFFFF  }
0xc2: {  	(tm) =	ssettm $0x7FFFFFFF  }
0xc3: {  	_ =	shalt  }
tec
execute0_lowered:
.L_overlay_start_1:
0x0: {  	(tag) =	ssettag $0x1  }
0x1: {  	s0 =	rddreg [dreg:$0x0]  }
0x2: {  	s3 =	rddreg [dreg:$0x1]  }
0x3: {  	s2 =	srdreg.scid;
	s1 =	stileid.u32;
	s17 =	simm.s32 $0x880  }
0x4: {  	s18 =	simm.s32 $0x1080;
	s19 =	simm.s32 $0x1880;
	s20 =	simm.s32 $0x2080  }
0x5: {  	s21 =	simm.s32 $0x2880;
	s4 =	sand.u32 $0x1, s2;
	s2 =	simm.s32 $0x0  }
0x6: {  	s23 =	simm.s32 $0x3080;
	s24 =	simm.s32 $0x3880;
	[smem:$0x7FF] =	sst s2  }
0x7: {  	s25 =	simm.s32 $0x4080;
	_ =	strace $0x8000004A;
	[dreg:$0x7] =	wrdreg s17  }
0x8: {  	s26 =	simm.s32 $0x4880;
	s10 =	simm.s32 $0x6880;
	[dreg:$0x8] =	wrdreg s18  }
0x9: {  	s11 =	simm.s32 $0x7080;
	s12 =	simm.s32 $0x7880;
	[dreg:$0x9] =	wrdreg s19  }
0xa: {  	s13 =	simm.s32 $0x8080;
	s14 =	simm.s32 $0x8100;
	[dreg:$0xa] =	wrdreg s20  }
0xb: {  	s28 =	simm.s32 $0xE900;
	s29 =	simm.s32 $0xF100;
	[dreg:$0xb] =	wrdreg s21  }
0xc: {  	s30 =	simm.s32 $0xF900;
	s31 =	simm.s32 $0x1;
	[dreg:$0xc] =	wrdreg s23  }
0xd: {  	s5 =	sshll.u32 s1, $0x9;
	s15 =	sadd.s32 $0x27800, s0;
	[dreg:$0xd] =	wrdreg s24  }
0xe: {  	s6 =	sshll.u32 s4, $0x8;
	s4 =	ssub.s32 $0x2, s4;
	[dreg:$0xe] =	wrdreg s25  }
0xf: {  	s5 =	sor.u32 s6, s5;
	s22 =	sshrl.u32 s4, $0x1;
	[dreg:$0xf] =	wrdreg s26  }
0x10: {  	s17 =	simm.s32 $0x9900;
	s18 =	simm.s32 $0xA100;
	s19 =	simm.s32 $0xA900  }
0x11: {  	s20 =	simm.s32 $0xB100;
	s21 =	simm.s32 $0xB900;
	s23 =	simm.s32 $0xC900  }
0x12: {  	s24 =	simm.s32 $0xD100;
	s25 =	simm.s32 $0xD900;
	s26 =	simm.s32 $0xE100  }
0x13: {  	s7 =	sshrl.u32 s5, $0x3;
	s8 =	sor.u32 $0x80, s5;
	s5 =	sshll.u32 s5, $0x5  }
0x14: {  	s4 =	ssub.s32 s4, s22;
	s22 =	simm.s32 $0xC100;
	s7 =	sadd.s32 s15, s7  }
0x15: {  	s9 =	sshrl.u32 s8, $0x3;
	s5 =	sadd.s32 s3, s5;
	s16 =	sshll.u32 s8, $0x5  }
0x16: {  	s4 =	smax.u32 s4, $0x1;
	s8 =	simm.s32 $0x5880;
	[dreg:$0x3] =	wrdreg s7  }
0x17: {  	s6 =	sadd.s32 s15, s9;
	[dreg:$0x5] =	wrdreg s5;
	s3 =	sadd.s32 s3, s16  }
0x18: {  	v2 =	vlaneseq.u32;
	s5 =	simm.s32 $0x3;
	s9 =	simm.s32 $0x6080;
	[dreg:$0x4] =	wrdreg s6  }
0x19: {  	vm0 =	vmmov $0xffff;
	v1 =	vshrl.u32 v2, $0x3;
	s15 =	simm.s32 $0x8900;
	s16 =	simm.s32 $0x9100;
	[dreg:$0x6] =	wrdreg s3  }
0x1a: {  	v0 =	vand.u32 $0x7, v2;
	v2 =	vor.u32 $0x8, v2;
	v1 =	vmul.u32 $0x8, v1;
	s3 =	sadd.s32 $0x3600, s0;
	s6 =	simm.s32 $0x80;
	s0 =	simm.s32 $0x2  }
.LBB2_1:
0x1b: {  	s1 =	rddreg [dreg:$0x3]  }
0x1c: {  	[tilespmem:s2], [sflag:$0x3] =	stream.linear.gather [hbm4b:s1+s2], $0x80, $0x38;
	[tilespmem:$0x10100] =	vst v63  }
0x1d: {  	_ =	swait.ge [sflag:s5], $0x80  }
0x1e: {  	[sflag:s5] =	ssyncset.done $0x0  }
0x1f: {  	[sflag:s5] =	ssyncadd.s32 $0xFFFFFF80  }
0x20: {  	v3 =	vld [tilespmem:$0x0];
	_ =	sdelay $0x4  }
0x21: {  	v4 =	vshll.u32 v3, $0x1  }
0x22: {  	v3 =	vand.u32 $0x7, v3;
	v4 =	vand.u32 $0xFFFFFFF0, v4  }
0x23: {  	v3 =	vor.u32 v3, v4  }
0x24: {  	v4 =	vperm.xlane v3, v0;
	_ =	sdelay $0x1  }
0x25: {  	v3 =	vperm.xlane v3, v2;
	v4 =	vadd.s32 v1, v4;
	_ =	sdelay $0x1  }
0x26: {  	v3 =	vadd.s32 v1, v3;
	_ =	sdelay $0x2  }
0x27: {  	[tilespmem:s6], [sflag:$0x1] =	stream.indirect_vreg.gather [hbm4b:s3+s2], $0x80, v4, vm0, $0xb8;
	[tilespmem:$0x10100] =	vst v63  }
0x28: {  	s7 =	rddreg [dreg:$0x7]  }
0x29: {  	[tilespmem:s7], [sflag:$0x1] =	stream.indirect_vreg.gather [hbm4b:s3+s2], $0x80, v3, vm0, $0xb8;
	[tilespmem:$0x10100] =	vst v63  }
0x2a: {  	v3 =	vld [tilespmem:$0x10];
	_ =	sdelay $0x4  }
0x2b: {  	v49 =	vshll.u32 v3, $0x1  }
0x2c: {  	v3 =	vand.u32 $0x7, v3;
	v4 =	vand.u32 $0xFFFFFFF0, v49  }
0x2d: {  	v3 =	vor.u32 v3, v4  }
0x2e: {  	v4 =	vperm.xlane v3, v0;
	_ =	sdelay $0x1  }
0x2f: {  	v3 =	vperm.xlane v3, v2;
	v4 =	vadd.s32 v1, v4;
	_ =	sdelay $0x1  }
0x30: {  	v3 =	vadd.s32 v1, v3;
	_ =	sdelay $0x1  }
0x31: {  	s1 =	rddreg [dreg:$0x8]  }
0x32: {  	[tilespmem:s1], [sflag:$0x1] =	stream.indirect_vreg.gather [hbm4b:s3+s2], $0x80, v4, vm0, $0xb8;
	[tilespmem:$0x10100] =	vst v63  }
0x33: {  	s7 =	rddreg [dreg:$0x9]  }
0x34: {  	[tilespmem:s7], [sflag:$0x1] =	stream.indirect_vreg.gather [hbm4b:s3+s2], $0x80, v3, vm0, $0xb8;
	[tilespmem:$0x10100] =	vst v63  }
0x35: {  	v3 =	vld [tilespmem:$0x20];
	_ =	sdelay $0x4  }
0x36: {  	v50 =	vshll.u32 v3, $0x1  }
0x37: {  	v3 =	vand.u32 $0x7, v3;
	v4 =	vand.u32 $0xFFFFFFF0, v50  }
0x38: {  	v3 =	vor.u32 v3, v4  }
0x39: {  	v4 =	vperm.xlane v3, v0;
	_ =	sdelay $0x1  }
0x3a: {  	v3 =	vperm.xlane v3, v2;
	v4 =	vadd.s32 v1, v4;
	_ =	sdelay $0x1  }
0x3b: {  	v3 =	vadd.s32 v1, v3;
	_ =	sdelay $0x1  }
0x3c: {  	s1 =	rddreg [dreg:$0xa]  }
0x3d: {  	[tilespmem:s1], [sflag:$0x1] =	stream.indirect_vreg.gather [hbm4b:s3+s2], $0x80, v4, vm0, $0xb8;
	[tilespmem:$0x10100] =	vst v63  }
0x3e: {  	s7 =	rddreg [dreg:$0xb]  }
0x3f: {  	[tilespmem:s7], [sflag:$0x1] =	stream.indirect_vreg.gather [hbm4b:s3+s2], $0x80, v3, vm0, $0xb8;
	[tilespmem:$0x10100] =	vst v63  }
0x40: {  	v3 =	vld [tilespmem:$0x30];
	_ =	sdelay $0x4  }
0x41: {  	v51 =	vshll.u32 v3, $0x1  }
0x42: {  	v3 =	vand.u32 $0x7, v3;
	v4 =	vand.u32 $0xFFFFFFF0, v51  }
0x43: {  	v3 =	vor.u32 v3, v4  }
0x44: {  	v4 =	vperm.xlane v3, v0;
	_ =	sdelay $0x1  }
0x45: {  	v3 =	vperm.xlane v3, v2;
	v4 =	vadd.s32 v1, v4;
	_ =	sdelay $0x1  }
0x46: {  	v3 =	vadd.s32 v1, v3;
	_ =	sdelay $0x1  }
0x47: {  	s1 =	rddreg [dreg:$0xc]  }
0x48: {  	[tilespmem:s1], [sflag:$0x1] =	stream.indirect_vreg.gather [hbm4b:s3+s2], $0x80, v4, vm0, $0xb8;
	[tilespmem:$0x10100] =	vst v63  }
0x49: {  	s7 =	rddreg [dreg:$0xd]  }
0x4a: {  	[tilespmem:s7], [sflag:$0x1] =	stream.indirect_vreg.gather [hbm4b:s3+s2], $0x80, v3, vm0, $0xb8;
	[tilespmem:$0x10100] =	vst v63  }
0x4b: {  	v3 =	vld [tilespmem:$0x40];
	_ =	sdelay $0x4  }
0x4c: {  	v52 =	vshll.u32 v3, $0x1  }
0x4d: {  	v3 =	vand.u32 $0x7, v3;
	v4 =	vand.u32 $0xFFFFFFF0, v52  }
0x4e: {  	v3 =	vor.u32 v3, v4  }
0x4f: {  	v4 =	vperm.xlane v3, v0;
	_ =	sdelay $0x1  }
0x50: {  	v3 =	vperm.xlane v3, v2;
	v4 =	vadd.s32 v1, v4;
	_ =	sdelay $0x1  }
0x51: {  	v3 =	vadd.s32 v1, v3;
	_ =	sdelay $0x1  }
0x52: {  	s1 =	rddreg [dreg:$0xe]  }
0x53: {  	[tilespmem:s1], [sflag:$0x1] =	stream.indirect_vreg.gather [hbm4b:s3+s2], $0x80, v4, vm0, $0xb8;
	[tilespmem:$0x10100] =	vst v63  }
0x54: {  	s7 =	rddreg [dreg:$0xf]  }
0x55: {  	[tilespmem:s7], [sflag:$0x1] =	stream.indirect_vreg.gather [hbm4b:s3+s2], $0x80, v3, vm0, $0xb8;
	[tilespmem:$0x10100] =	vst v63  }
0x56: {  	v3 =	vld [tilespmem:$0x50];
	_ =	sdelay $0x4  }
0x57: {  	v53 =	vshll.u32 v3, $0x1  }
0x58: {  	v3 =	vand.u32 $0x7, v3;
	v4 =	vand.u32 $0xFFFFFFF0, v53  }
0x59: {  	v3 =	vor.u32 v3, v4  }
0x5a: {  	v4 =	vperm.xlane v3, v0;
	_ =	sdelay $0x1  }
0x5b: {  	v3 =	vperm.xlane v3, v2;
	v4 =	vadd.s32 v1, v4;
	_ =	sdelay $0x1  }
0x5c: {  	v3 =	vadd.s32 v1, v3;
	_ =	sdelay $0x1  }
0x5d: {  	s7 =	simm.s32 $0x5080  }
0x5e: {  	[tilespmem:s7], [sflag:$0x1] =	stream.indirect_vreg.gather [hbm4b:s3+s2], $0x80, v4, vm0, $0xb8;
	[tilespmem:$0x10100] =	vst v63  }
0x5f: {  	_ = 	snop  }
0x60: {  	[tilespmem:s8], [sflag:$0x1] =	stream.indirect_vreg.gather [hbm4b:s3+s2], $0x80, v3, vm0, $0xb8;
	[tilespmem:$0x10100] =	vst v63  }
0x61: {  	v3 =	vld [tilespmem:$0x60];
	_ =	sdelay $0x4  }
0x62: {  	v54 =	vshll.u32 v3, $0x1  }
0x63: {  	v3 =	vand.u32 $0x7, v3;
	v4 =	vand.u32 $0xFFFFFFF0, v54  }
0x64: {  	v3 =	vor.u32 v3, v4  }
0x65: {  	v4 =	vperm.xlane v3, v0;
	_ =	sdelay $0x1  }
0x66: {  	v3 =	vperm.xlane v3, v2;
	v4 =	vadd.s32 v1, v4;
	_ =	sdelay $0x1  }
0x67: {  	v3 =	vadd.s32 v1, v3;
	_ =	sdelay $0x2  }
0x68: {  	[tilespmem:s9], [sflag:$0x1] =	stream.indirect_vreg.gather [hbm4b:s3+s2], $0x80, v4, vm0, $0xb8;
	[tilespmem:$0x10100] =	vst v63  }
0x69: {  	_ = 	snop  }
0x6a: {  	[tilespmem:s10], [sflag:$0x1] =	stream.indirect_vreg.gather [hbm4b:s3+s2], $0x80, v3, vm0, $0xb8;
	[tilespmem:$0x10100] =	vst v63  }
0x6b: {  	v3 =	vld [tilespmem:$0x70];
	_ =	sdelay $0x4  }
0x6c: {  	v55 =	vshll.u32 v3, $0x1  }
0x6d: {  	v3 =	vand.u32 $0x7, v3;
	v4 =	vand.u32 $0xFFFFFFF0, v55  }
0x6e: {  	v3 =	vor.u32 v3, v4  }
0x6f: {  	v4 =	vperm.xlane v3, v0;
	_ =	sdelay $0x1  }
0x70: {  	v3 =	vperm.xlane v3, v2;
	v4 =	vadd.s32 v1, v4;
	_ =	sdelay $0x1  }
0x71: {  	v3 =	vadd.s32 v1, v3;
	_ =	sdelay $0x2  }
0x72: {  	[tilespmem:s11], [sflag:$0x1] =	stream.indirect_vreg.gather [hbm4b:s3+s2], $0x80, v4, vm0, $0xb8;
	[tilespmem:$0x10100] =	vst v63  }
0x73: {  	_ = 	snop  }
0x74: {  	[tilespmem:s12], [sflag:$0x1] =	stream.indirect_vreg.gather [hbm4b:s3+s2], $0x80, v3, vm0, $0xb8;
	[tilespmem:$0x10100] =	vst v63  }
0x75: {  	s7 =	rddreg [dreg:$0x4]  }
0x76: {  	[tilespmem:s13], [sflag:$0x3] =	stream.linear.gather [hbm4b:s7+s2], $0x80, $0x38;
	[tilespmem:$0x10100] =	vst v63  }
0x77: {  	_ =	swait.ge [sflag:s5], $0x80  }
0x78: {  	[sflag:s5] =	ssyncset.done $0x0  }
0x79: {  	[sflag:s5] =	ssyncadd.s32 $0xFFFFFF80  }
0x7a: {  	v3 =	vld [tilespmem:$0x8080];
	_ =	sdelay $0x4  }
0x7b: {  	v56 =	vshll.u32 v3, $0x1  }
0x7c: {  	v3 =	vand.u32 $0x7, v3;
	v4 =	vand.u32 $0xFFFFFFF0, v56  }
0x7d: {  	v3 =	vor.u32 v3, v4  }
0x7e: {  	v4 =	vperm.xlane v3, v0;
	_ =	sdelay $0x1  }
0x7f: {  	v3 =	vperm.xlane v3, v2;
	v4 =	vadd.s32 v1, v4;
	_ =	sdelay $0x1  }
0x80: {  	v3 =	vadd.s32 v1, v3;
	_ =	sdelay $0x2  }
0x81: {  	[tilespmem:s14], [sflag:$0x2] =	stream.indirect_vreg.gather [hbm4b:s3+s2], $0x80, v4, vm0, $0xb8;
	[tilespmem:$0x10100] =	vst v63  }
0x82: {  	_ = 	snop  }
0x83: {  	[tilespmem:s15], [sflag:$0x2] =	stream.indirect_vreg.gather [hbm4b:s3+s2], $0x80, v3, vm0, $0xb8;
	[tilespmem:$0x10100] =	vst v63  }
0x84: {  	v3 =	vld [tilespmem:$0x8090];
	_ =	sdelay $0x4  }
0x85: {  	v57 =	vshll.u32 v3, $0x1  }
0x86: {  	v3 =	vand.u32 $0x7, v3;
	v4 =	vand.u32 $0xFFFFFFF0, v57  }
0x87: {  	v3 =	vor.u32 v3, v4  }
0x88: {  	v4 =	vperm.xlane v3, v0;
	_ =	sdelay $0x1  }
0x89: {  	v3 =	vperm.xlane v3, v2;
	v4 =	vadd.s32 v1, v4;
	_ =	sdelay $0x1  }
0x8a: {  	v3 =	vadd.s32 v1, v3;
	_ =	sdelay $0x2  }
0x8b: {  	[tilespmem:s16], [sflag:$0x2] =	stream.indirect_vreg.gather [hbm4b:s3+s2], $0x80, v4, vm0, $0xb8;
	[tilespmem:$0x10100] =	vst v63  }
0x8c: {  	_ = 	snop  }
0x8d: {  	[tilespmem:s17], [sflag:$0x2] =	stream.indirect_vreg.gather [hbm4b:s3+s2], $0x80, v3, vm0, $0xb8;
	[tilespmem:$0x10100] =	vst v63  }
0x8e: {  	v3 =	vld [tilespmem:$0x80A0];
	_ =	sdelay $0x4  }
0x8f: {  	v58 =	vshll.u32 v3, $0x1  }
0x90: {  	v3 =	vand.u32 $0x7, v3;
	v4 =	vand.u32 $0xFFFFFFF0, v58  }
0x91: {  	v3 =	vor.u32 v3, v4  }
0x92: {  	v4 =	vperm.xlane v3, v0;
	_ =	sdelay $0x1  }
0x93: {  	v3 =	vperm.xlane v3, v2;
	v4 =	vadd.s32 v1, v4;
	_ =	sdelay $0x1  }
0x94: {  	v3 =	vadd.s32 v1, v3;
	_ =	sdelay $0x2  }
0x95: {  	[tilespmem:s18], [sflag:$0x2] =	stream.indirect_vreg.gather [hbm4b:s3+s2], $0x80, v4, vm0, $0xb8;
	[tilespmem:$0x10100] =	vst v63  }
0x96: {  	_ = 	snop  }
0x97: {  	[tilespmem:s19], [sflag:$0x2] =	stream.indirect_vreg.gather [hbm4b:s3+s2], $0x80, v3, vm0, $0xb8;
	[tilespmem:$0x10100] =	vst v63  }
0x98: {  	v3 =	vld [tilespmem:$0x80B0];
	_ =	sdelay $0x4  }
0x99: {  	v59 =	vshll.u32 v3, $0x1  }
0x9a: {  	v3 =	vand.u32 $0x7, v3;
	v4 =	vand.u32 $0xFFFFFFF0, v59  }
0x9b: {  	v3 =	vor.u32 v3, v4  }
0x9c: {  	v4 =	vperm.xlane v3, v0;
	_ =	sdelay $0x1  }
0x9d: {  	v3 =	vperm.xlane v3, v2;
	v4 =	vadd.s32 v1, v4;
	_ =	sdelay $0x1  }
0x9e: {  	v3 =	vadd.s32 v1, v3;
	_ =	sdelay $0x2  }
0x9f: {  	[tilespmem:s20], [sflag:$0x2] =	stream.indirect_vreg.gather [hbm4b:s3+s2], $0x80, v4, vm0, $0xb8;
	[tilespmem:$0x10100] =	vst v63  }
0xa0: {  	_ = 	snop  }
0xa1: {  	[tilespmem:s21], [sflag:$0x2] =	stream.indirect_vreg.gather [hbm4b:s3+s2], $0x80, v3, vm0, $0xb8;
	[tilespmem:$0x10100] =	vst v63  }
0xa2: {  	v3 =	vld [tilespmem:$0x80C0];
	_ =	sdelay $0x4  }
0xa3: {  	v60 =	vshll.u32 v3, $0x1  }
0xa4: {  	v3 =	vand.u32 $0x7, v3;
	v4 =	vand.u32 $0xFFFFFFF0, v60  }
0xa5: {  	v3 =	vor.u32 v3, v4  }
0xa6: {  	v4 =	vperm.xlane v3, v0;
	_ =	sdelay $0x1  }
0xa7: {  	v3 =	vperm.xlane v3, v2;
	v4 =	vadd.s32 v1, v4;
	_ =	sdelay $0x1  }
0xa8: {  	v3 =	vadd.s32 v1, v3;
	_ =	sdelay $0x2  }
0xa9: {  	[tilespmem:s22], [sflag:$0x2] =	stream.indirect_vreg.gather [hbm4b:s3+s2], $0x80, v4, vm0, $0xb8;
	[tilespmem:$0x10100] =	vst v63  }
0xaa: {  	_ = 	snop  }
0xab: {  	[tilespmem:s23], [sflag:$0x2] =	stream.indirect_vreg.gather [hbm4b:s3+s2], $0x80, v3, vm0, $0xb8;
	[tilespmem:$0x10100] =	vst v63  }
0xac: {  	v3 =	vld [tilespmem:$0x80D0];
	_ =	sdelay $0x4  }
0xad: {  	v61 =	vshll.u32 v3, $0x1  }
0xae: {  	v3 =	vand.u32 $0x7, v3;
	v4 =	vand.u32 $0xFFFFFFF0, v61  }
0xaf: {  	v3 =	vor.u32 v3, v4  }
0xb0: {  	v4 =	vperm.xlane v3, v0;
	_ =	sdelay $0x1  }
0xb1: {  	v3 =	vperm.xlane v3, v2;
	v4 =	vadd.s32 v1, v4;
	_ =	sdelay $0x1  }
0xb2: {  	v3 =	vadd.s32 v1, v3;
	_ =	sdelay $0x2  }
0xb3: {  	[tilespmem:s24], [sflag:$0x2] =	stream.indirect_vreg.gather [hbm4b:s3+s2], $0x80, v4, vm0, $0xb8;
	[tilespmem:$0x10100] =	vst v63  }
0xb4: {  	_ = 	snop  }
0xb5: {  	[tilespmem:s25], [sflag:$0x2] =	stream.indirect_vreg.gather [hbm4b:s3+s2], $0x80, v3, vm0, $0xb8;
	[tilespmem:$0x10100] =	vst v63  }
0xb6: {  	v3 =	vld [tilespmem:$0x80E0];
	_ =	sdelay $0x4  }
0xb7: {  	v62 =	vshll.u32 v3, $0x1  }
0xb8: {  	v3 =	vand.u32 $0x7, v3;
	v4 =	vand.u32 $0xFFFFFFF0, v62  }
0xb9: {  	v3 =	vor.u32 v3, v4  }
0xba: {  	v4 =	vperm.xlane v3, v0;
	_ =	sdelay $0x1  }
0xbb: {  	v3 =	vperm.xlane v3, v2;
	v4 =	vadd.s32 v1, v4;
	_ =	sdelay $0x1  }
0xbc: {  	v3 =	vadd.s32 v1, v3;
	_ =	sdelay $0x2  }
0xbd: {  	[tilespmem:s26], [sflag:$0x2] =	stream.indirect_vreg.gather [hbm4b:s3+s2], $0x80, v4, vm0, $0xb8;
	[tilespmem:$0x10100] =	vst v63  }
0xbe: {  	_ = 	snop  }
0xbf: {  	[tilespmem:s28], [sflag:$0x2] =	stream.indirect_vreg.gather [hbm4b:s3+s2], $0x80, v3, vm0, $0xb8;
	[tilespmem:$0x10100] =	vst v63  }
0xc0: {  	v3 =	vld [tilespmem:$0x80F0];
	_ =	sdelay $0x4  }
0xc1: {  	v63 =	vshll.u32 v3, $0x1  }
0xc2: {  	v3 =	vand.u32 $0x7, v3;
	v4 =	vand.u32 $0xFFFFFFF0, v63  }
0xc3: {  	v3 =	vor.u32 v3, v4  }
0xc4: {  	v4 =	vperm.xlane v3, v0;
	_ =	sdelay $0x1  }
0xc5: {  	v3 =	vperm.xlane v3, v2;
	v4 =	vadd.s32 v1, v4;
	_ =	sdelay $0x1  }
0xc6: {  	v3 =	vadd.s32 v1, v3;
	_ =	sdelay $0x2  }
0xc7: {  	[tilespmem:s29], [sflag:$0x2] =	stream.indirect_vreg.gather [hbm4b:s3+s2], $0x80, v4, vm0, $0xb8;
	[tilespmem:$0x10100] =	vst v63  }
0xc8: {  	_ = 	snop  }
0xc9: {  	[tilespmem:s30], [sflag:$0x2] =	stream.indirect_vreg.gather [hbm4b:s3+s2], $0x80, v3, vm0, $0xb8;
	[tilespmem:$0x10100] =	vst v63  }
0xca: {  	_ =	swait.ge [sflag:s31], $0x8000  }
0xcb: {  	[sflag:s31] =	ssyncset.done $0x0  }
0xcc: {  	s7 =	rddreg [dreg:$0x5];
	[sflag:s31] =	ssyncadd.s32 $0xFFFF8000  }
0xcd: {  	[hbm4b:s7+s2] =	stream.linear.scatter [tilespmem:s6], [sflag:$0x3], $0x8000, $0x38;
	[tilespmem:$0x10100] =	vst v63  }
0xce: {  	_ =	swait.ge [sflag:s5], $0x8000  }
0xcf: {  	[sflag:s5] =	ssyncset.done $0x0  }
0xd0: {  	[sflag:s5] =	ssyncadd.s32 $0xFFFF8000  }
0xd1: {  	_ =	swait.ge [sflag:s0], $0x8000  }
0xd2: {  	p0 =	sne.s32 s4, $0x1;
	[sflag:s0] =	ssyncset.done $0x0  }
.Ltmp0:
0xd3: {  	s7 =	rddreg [dreg:$0x6];
	[sflag:s0] =	ssyncadd.s32 $0xFFFF8000;
	(pc) =	sbr.rel @p0 .LBB2_1-.Ltmp0, $4  }
0xd4: {  	[hbm4b:s7+s2] =	stream.linear.scatter [tilespmem:s14], [sflag:$0x3], $0x8000, $0x38;
	[tilespmem:$0x10100] =	vst v63  }
0xd5: {  	_ =	swait.ge [sflag:s5], $0x8000  }
0xd6: {  	[sflag:s5] =	ssyncset.done $0x0  }
0xd7: {  	s4 =	sadd.s32 $0xFFFFFFFF, s4;
	[sflag:s5] =	ssyncadd.s32 $0xFFFF8000  }
0xd8: {  	_ =	sfence.sel $0x180000  }
0xd9: {  	[bflag:$0x0] =	sbarrier.arrive $0xFFFF  }
0xda: {  	_ =	strace $0x9000004A  }
0xdb: {  	s0 =	stileid.u32;
	[bflag:$0x2] =	sbarrier.arrive $0xFFFF  }
0xdc: {  	p0 =	sne.s32 s0, $0x0;
	s0 =	rddreg [dreg:$0x2]  }
0xdd: {  	s0 =	sadd.s32 @!p0 $0x100000, s0  }
0xde: {  	[sflag:s0] =	ssyncadd.tile.s32 @!p0 $0x1;
	_ =	shalt  }
.Lfunc_end2:
_tile_overlayer_lowered:
.L_overlay_start_2:
0xdf: {  	(tag) =	ssettag $0x2  }
0xe0: {  	s0 =	rddreg [dreg:$0x0];
	s2 =	stileid.u32  }
0xe1: {  	s1 =	rddreg [dreg:$0x1];
	p0 =	sne.s32 s2, $0x0  }
0xe2: {  	s3 =	rddreg [dreg:$0x2];
	[bflag:$0x3] =	sbarrier.arrive $0xFFFF;
	s2 =	simm.s32 @!p0 $0x1C03  }
0xe3: {  	[timem:s3], [sflag:s2] =	dma.local @!p0 [hbm:s0], s1  }
0xe4: {  	s0 =	simm.s32 @!p0 $0x3  }
0xe5: {  	_ =	swait.ge @!p0 [sflag:s0], s1  }
0xe6: {  	s1 =	ssub.s32 @!p0 $0x0, s1;
	[sflag:s0] =	ssyncset.done @!p0 $0x0  }
0xe7: {  	[sflag:s0] =	ssyncadd.s32 @!p0 s1  }
0xe8: {  	[bflag:$0x3] =	sbarrier.arrive $0xFFFF  }
0xe9: {  	_ =	shalt  }

</sc_bundles>
